<compile_context>
chip_gen: v7x
topology: tpu7x:2x2x1
jax: 0.10.2.dev20260603
libtpu: 0.0.44.dev20260713+nightly
codegen_flags: <defaults>
</compile_context>

<pallas_src>
import functools

import jax
import jax.numpy as jnp
from jax import lax
from jax.experimental import pallas as pl
from jax.experimental.pallas import tpu as pltpu
from jax.experimental.pallas import tpu_sc as plsc

NC = 2
NS = 16
NW = NC * NS
B = 128
NBLK = 512


def _deg_body(rpw, src_hbm, dst_hbm, ones_hbm, zeros_hbm, out_hbm,
              sidx, didx, ones_v, dego_sp, degi_sp, sem_s):
    c = lax.axis_index("c")
    s = lax.axis_index("s")
    wid = c * NS + s
    npad = dego_sp.shape[0]
    sl = npad // NS
    pltpu.sync_copy(zeros_hbm, dego_sp.at[pl.ds(s * sl, sl)])
    pltpu.sync_copy(zeros_hbm, degi_sp.at[pl.ds(s * sl, sl)])
    pltpu.sync_copy(ones_hbm, ones_v)
    base = wid * rpw
    pltpu.sync_copy(src_hbm.at[pl.ds(base, rpw)], sidx)
    pltpu.sync_copy(dst_hbm.at[pl.ds(base, rpw)], didx)
    plsc.subcore_barrier()

    def fire(r, _):
        pltpu.async_copy(ones_v, dego_sp.at[sidx.at[r]], sem_s, add=True)
        pltpu.async_copy(ones_v, degi_sp.at[didx.at[r]], sem_s, add=True)
        return _

    lax.fori_loop(0, rpw, fire, None)

    def drain(r, _):
        pltpu.make_async_copy(ones_hbm, ones_v, sem_s).wait()
        return _

    lax.fori_loop(0, 2 * rpw, drain, None)
    plsc.subcore_barrier()
    pltpu.sync_copy(dego_sp.at[pl.ds(s * sl, sl)],
                    out_hbm.at[c, 0, pl.ds(s * sl, sl)])
    pltpu.sync_copy(degi_sp.at[pl.ds(s * sl, sl)],
                    out_hbm.at[c, 1, pl.ds(s * sl, sl)])


B2 = 64
NSLOT = 5
LEAD = NSLOT - 1


def _agg_body(rpw, src_hbm, dst_hbm, y1_hbm, ndst_hbm, zeros_hbm,
              agg_out, c_out,
              sidx, didx, rowsb, vbuf, agg_sp, c_sp, ndst_sp,
              sem_i, sem_g, sem_s, sem_v, sem_sc):
    c = lax.axis_index("c")
    s = lax.axis_index("s")
    wid = c * NS + s
    npad = c_sp.shape[0]
    sl = npad // NS
    nchunks = rpw // 8
    feats = rowsb.shape[2]

    def zrow_body(i, _):
        for k in range(feats // 16):
            rowsb[0, i, pl.ds(k * 16, 16)] = jnp.zeros((16,), jnp.float32)
        return _

    lax.fori_loop(0, B2, zrow_body, None)

    def zcopy_body(m, _):
        pltpu.sync_copy(rowsb.at[0],
                        agg_sp.at[pl.ds(s * sl + m * B2, B2), :])
        return _

    lax.fori_loop(0, sl // B2, zcopy_body, None)
    pltpu.sync_copy(zeros_hbm, c_sp.at[pl.ds(s * sl, sl)])
    pltpu.sync_copy(ndst_hbm.at[pl.ds(s * sl, sl)],
                    ndst_sp.at[pl.ds(s * sl, sl)])
    base = wid * rpw

    def stage(q):
        qs = q % 3
        pltpu.async_copy(src_hbm.at[pl.ds(base + q * 8, 8)], sidx.at[qs],
                         sem_i.at[qs])
        pltpu.async_copy(dst_hbm.at[pl.ds(base + q * 8, 8)], didx.at[qs],
                         sem_i.at[qs])

    def wait_stage(q):
        qs = q % 3
        pltpu.make_async_copy(src_hbm.at[pl.ds(0, 8)], sidx.at[qs],
                              sem_i.at[qs]).wait()
        pltpu.make_async_copy(src_hbm.at[pl.ds(0, 8)], didx.at[qs],
                              sem_i.at[qs]).wait()

    def fire_g(r, slot):
        pltpu.async_copy(y1_hbm.at[sidx.at[(r // 8) % 3, r % 8]],
                         rowsb.at[slot], sem_g.at[slot])

    def fire_v(r, slot):
        pltpu.async_copy(ndst_sp.at[didx.at[(r // 8) % 3, r % 8]],
                         vbuf.at[slot], sem_v.at[slot])

    def fire_s(r, slot):
        pltpu.async_copy(rowsb.at[slot],
                         agg_sp.at[didx.at[(r // 8) % 3, r % 8]],
                         sem_s.at[slot], add=True)

    def fire_c(r, slot):
        pltpu.async_copy(vbuf.at[slot], c_sp.at[sidx.at[(r // 8) % 3, r % 8]],
                         sem_sc.at[slot], add=True)

    def wait_rows(sem, slot):
        pltpu.make_async_copy(y1_hbm.at[pl.ds(0, B2)], rowsb.at[slot],
                              sem.at[slot]).wait()

    def wait_vals(sem, slot):
        pltpu.make_async_copy(ndst_hbm.at[pl.ds(0, B2)], vbuf.at[slot],
                              sem.at[slot]).wait()

    stage(0)
    wait_stage(0)
    stage(1)
    plsc.subcore_barrier()
    for g in range(LEAD):
        fire_g(g, g)
    fire_v(0, 0)

    def body(r, _):
        slot = r % NSLOT
        vslot = r % 2
        wait_rows(sem_g, slot)
        fire_s(r, slot)

        @pl.when(r >= 1)
        def _():
            wait_rows(sem_s, (r + LEAD) % NSLOT)

        qn = (r + LEAD) // 8

        @pl.when(((r + LEAD) % 8 == 0) & (qn <= nchunks - 1))
        def _():
            wait_stage(qn)

        @pl.when(((r + LEAD) % 8 == 0) & (qn <= nchunks - 2))
        def _():
            stage(qn + 1)

        @pl.when(r <= rpw - NSLOT)
        def _():
            fire_g(r + LEAD, (r + LEAD) % NSLOT)

        wait_vals(sem_v, vslot)
        fire_c(r, vslot)

        @pl.when(r >= 1)
        def _():
            wait_vals(sem_sc, (r + 1) % 2)

        @pl.when(r < rpw - 1)
        def _():
            fire_v(r + 1, (r + 1) % 2)

        return _

    lax.fori_loop(0, rpw, body, None)
    wait_rows(sem_s, (rpw - 1) % NSLOT)
    wait_vals(sem_sc, (rpw - 1) % 2)
    plsc.subcore_barrier()
    pltpu.sync_copy(agg_sp.at[pl.ds(s * sl, sl), :],
                    agg_out.at[c, pl.ds(s * sl, sl), :])
    pltpu.sync_copy(c_sp.at[pl.ds(s * sl, sl)],
                    c_out.at[c, pl.ds(s * sl, sl)])


def _lin_body(f1_ref, f2_ref, w1_ref, deg_ref, eye_ref, y1_ref, ndst_ref):
    x1 = f1_ref[...]
    x2 = f2_ref[...]
    w = w1_ref[...]
    k = x1.shape[1]
    y0 = jnp.dot(x1, w[:k, :], preferred_element_type=jnp.float32)
    y0 = y0 + jnp.dot(x2, w[k:, :], preferred_element_type=jnp.float32)
    dsrc = deg_ref[0, 0, :] + deg_ref[1, 0, :]
    ddst = deg_ref[0, 1, :] + deg_ref[1, 1, :]
    ns = lax.rsqrt(jnp.maximum(dsrc, 1.0))
    nd = lax.rsqrt(jnp.maximum(ddst, 1.0))
    dmat = eye_ref[...] * ns[None, :]
    y1_ref[...] = jnp.dot(dmat, y0, preferred_element_type=jnp.float32)
    ndst_ref[...] = nd


def _fin_body(nblocks, n_nodes, agg_ref, c_ref, deg_ref, w2_ref, b1_ref,
              b2_ref, eye_ref, out_ref, acc):
    i = pl.program_id(0)
    agg = agg_ref[0] + agg_ref[1]
    ddst = deg_ref[0, 1, :] + deg_ref[1, 1, :]
    dsrc = deg_ref[0, 0, :] + deg_ref[1, 0, :]
    nd = lax.rsqrt(jnp.maximum(ddst, 1.0))
    ns = lax.rsqrt(jnp.maximum(dsrc, 1.0))
    n = agg.shape[0]
    dmat = eye_ref[...] * nd[None, :]
    h = jnp.dot(dmat, agg, preferred_element_type=jnp.float32)
    h = jnp.maximum(h + b1_ref[...][None, :], 0.0)
    node = i * n + lax.broadcasted_iota(jnp.int32, (n,), 0)
    wv = (c_ref[0] + c_ref[1]) * ns
    wv = jnp.where(node < n_nodes, wv, 0.0)
    pv = jnp.dot(wv[None, :], h, preferred_element_type=jnp.float32)

    @pl.when(i == 0)
    def _():
        acc[...] = jnp.zeros_like(acc)

    acc[...] += pv

    @pl.when(i == nblocks - 1)
    def _():
        o = jnp.dot(acc[...], w2_ref[...],
                    preferred_element_type=jnp.float32)
        o = o * (1.0 / n_nodes) + b2_ref[...][None, :]
        out_ref[...] = jnp.pad(o, ((0, 0), (0, 128 - o.shape[1])))


def kernel(in_feat1, in_feat2, W1, b1, W2, b2, edge_index):
    n_nodes, f_in = in_feat1.shape
    e = edge_index.shape[1]
    npad = ((n_nodes + NBLK - 1) // NBLK) * NBLK
    feats = W1.shape[1]

    unit = NW * 8 * B
    e_pad = ((e + unit - 1) // unit) * unit
    rows = e_pad // B
    rpw = rows // NW
    sent = (jnp.arange(e_pad - e, dtype=jnp.int32) % (npad - n_nodes)
            ) + n_nodes
    src2 = jnp.concatenate([edge_index[0].astype(jnp.int32), sent]
                           ).reshape(rows, B)
    dst2 = jnp.concatenate([edge_index[1].astype(jnp.int32), sent]
                           ).reshape(rows, B)
    f1p = jnp.pad(in_feat1, ((0, npad - n_nodes), (0, 0)))
    f2p = jnp.pad(in_feat2, ((0, npad - n_nodes), (0, 0)))

    sl = npad // NS
    ones_b = jnp.ones((B,), jnp.float32)
    zeros_sl = jnp.zeros((sl,), jnp.float32)
    eye = jnp.eye(NBLK, dtype=jnp.float32)

    mesh = plsc.VectorSubcoreMesh(core_axis_name="c", subcore_axis_name="s",
                                  num_cores=NC, num_subcores=NS)

    degpart = pl.kernel(
        functools.partial(_deg_body, rpw),
        out_type=jax.ShapeDtypeStruct((NC, 2, npad), jnp.float32),
        mesh=mesh,
        scratch_types=[
            pltpu.VMEM((rpw, B), jnp.int32),
            pltpu.VMEM((rpw, B), jnp.int32),
            pltpu.VMEM((B,), jnp.float32),
            pltpu.VMEM_SHARED((npad,), jnp.float32),
            pltpu.VMEM_SHARED((npad,), jnp.float32),
            pltpu.SemaphoreType.DMA,
        ],
    )(src2, dst2, ones_b, zeros_sl)

    nblocks = npad // NBLK
    y1, ndst = pl.pallas_call(
        _lin_body,
        grid=(nblocks,),
        in_specs=[
            pl.BlockSpec((NBLK, f_in), lambda i: (i, 0)),
            pl.BlockSpec((NBLK, f_in), lambda i: (i, 0)),
            pl.BlockSpec((2 * f_in, feats), lambda i: (0, 0)),
            pl.BlockSpec((NC, 2, NBLK), lambda i: (0, 0, i)),
            pl.BlockSpec((NBLK, NBLK), lambda i: (0, 0)),
        ],
        out_specs=[
            pl.BlockSpec((NBLK, feats), lambda i: (i, 0)),
            pl.BlockSpec((NBLK,), lambda i: (i,)),
        ],
        out_shape=[
            jax.ShapeDtypeStruct((npad, feats), jnp.float32),
            jax.ShapeDtypeStruct((npad,), jnp.float32),
        ],
    )(f1p, f2p, W1, degpart, eye)

    src2h = src2.reshape(rows * (B // B2), B2)
    dst2h = dst2.reshape(rows * (B // B2), B2)
    aggpart, cpart = pl.kernel(
        functools.partial(_agg_body, rpw * (B // B2)),
        out_type=(
            jax.ShapeDtypeStruct((NC, npad, feats), jnp.float32),
            jax.ShapeDtypeStruct((NC, npad), jnp.float32),
        ),
        mesh=mesh,
        scratch_types=[
            pltpu.VMEM((3, 8, B2), jnp.int32),
            pltpu.VMEM((3, 8, B2), jnp.int32),
            pltpu.VMEM((NSLOT, B2, feats), jnp.float32),
            pltpu.VMEM((2, B2), jnp.float32),
            pltpu.VMEM_SHARED((npad, feats), jnp.float32),
            pltpu.VMEM_SHARED((npad,), jnp.float32),
            pltpu.VMEM_SHARED((npad,), jnp.float32),
            pltpu.SemaphoreType.DMA((3,)),
            pltpu.SemaphoreType.DMA((NSLOT,)),
            pltpu.SemaphoreType.DMA((NSLOT,)),
            pltpu.SemaphoreType.DMA((2,)),
            pltpu.SemaphoreType.DMA((2,)),
        ],
    )(src2h, dst2h, y1, ndst, zeros_sl)

    res = pl.pallas_call(
        functools.partial(_fin_body, nblocks, n_nodes),
        grid=(nblocks,),
        in_specs=[
            pl.BlockSpec((NC, NBLK, feats), lambda i: (0, i, 0)),
            pl.BlockSpec((NC, NBLK), lambda i: (0, i)),
            pl.BlockSpec((NC, 2, NBLK), lambda i: (0, 0, i)),
            pl.BlockSpec((feats, 16), lambda i: (0, 0)),
            pl.BlockSpec((feats,), lambda i: (0,)),
            pl.BlockSpec((16,), lambda i: (0,)),
            pl.BlockSpec((NBLK, NBLK), lambda i: (0, 0)),
        ],
        out_specs=pl.BlockSpec((1, 128), lambda i: (0, 0)),
        out_shape=jax.ShapeDtypeStruct((1, 128), jnp.float32),
        scratch_shapes=[pltpu.VMEM((1, 128), jnp.float32)],
    )(aggpart, cpart, degpart, W2, b1, b2, eye)

    return res[0, :16]

# --- scband reference (transcript-rebuilt; emitter-appended) ---
"""Pipeline reference for scband-gcn-12403865551655 (READ-ONLY COPY).

The authoritative reference and input builder live on the scoring server;
editing this copy changes nothing except your own understanding.
"""

import jax, jax.numpy as jnp
import numpy as np

N = 10000
E = 320000
IN_FEATS = 128
H_FEATS = 128
NUM_CLASSES = 16


def setup_inputs(seed: int = 0) -> dict:
    key = jax.random.key(seed)
    k1, k2, k3, k4, k5, k6, k7 = jax.random.split(key, 7)
    edge_index = jax.random.randint(k1, (2, E), 0, N).astype(jnp.int64)
    in_feat1 = jax.random.normal(k2, (N, IN_FEATS), dtype=jnp.float32)
    in_feat2 = jax.random.normal(k3, (N, IN_FEATS), dtype=jnp.float32)
    # GraphConv1: (in_feats*2) -> h_feats ; GraphConv2: h_feats -> num_classes
    W1 = jax.random.normal(k4, (IN_FEATS * 2, H_FEATS), dtype=jnp.float32) * (1.0 / np.sqrt(IN_FEATS * 2))
    b1 = jnp.zeros((H_FEATS,), dtype=jnp.float32)
    W2 = jax.random.normal(k5, (H_FEATS, NUM_CLASSES), dtype=jnp.float32) * (1.0 / np.sqrt(H_FEATS))
    b2 = jnp.zeros((NUM_CLASSES,), dtype=jnp.float32)
    return {"in_feat1": in_feat1, "in_feat2": in_feat2, "W1": W1, "b1": b1, "W2": W2, "b2": b2, "edge_index": edge_index}


def _graph_conv(x, src, dst, W, b):
    # DGL GraphConv with norm='both': h = D_dst^{-1/2} * A * (D_src^{-1/2} x) @ W + b
    ones = jnp.ones((src.shape[0],), dtype=x.dtype)
    deg_out = jax.ops.segment_sum(ones, src, num_segments=N)
    deg_in = jax.ops.segment_sum(ones, dst, num_segments=N)
    norm_src = jax.lax.rsqrt(jnp.maximum(deg_out, 1.0))
    norm_dst = jax.lax.rsqrt(jnp.maximum(deg_in, 1.0))
    xs = x * norm_src[:, None]
    msgs = jnp.take(xs, src, axis=0)
    agg = jax.ops.segment_sum(msgs, dst, num_segments=N)
    agg = agg * norm_dst[:, None]
    return agg @ W + b


def reference(in_feat1, in_feat2, W1, b1, W2, b2, edge_index):
    src = edge_index[0]
    dst = edge_index[1]
    h = _graph_conv(jnp.concatenate([in_feat1, in_feat2], axis=1), src, dst, W1, b1)
    h = jax.nn.relu(h)
    h = _graph_conv(h, src, dst, W2, b2)
    # dgl.mean_nodes over a single graph: mean over all nodes
    return jnp.mean(h, axis=0)

if __name__ == "__main__":
    import jax
    _d = setup_inputs()
    print(jax.jit(kernel)(*tuple(_d.values())))

</pallas_src>

<mosaic_0001>
#map = affine_map<(d0, d1) -> (0, 0)>
#map1 = affine_map<(d0, d1) -> (0)>
#map2 = affine_map<(d0, d1) -> (0, 0, 0)>
module attributes {stable_mosaic.version = 14 : i64} {
  func.func @_agg_body(%arg0: i32, %arg1: i32, %arg2: memref<5120x64xi32, #tpu.memory_space<hbm>>, %arg3: memref<5120x64xi32, #tpu.memory_space<hbm>>, %arg4: memref<10240x128xf32, #tpu.memory_space<hbm>>, %arg5: memref<10240xf32, #tpu.memory_space<hbm>>, %arg6: memref<640xf32, #tpu.memory_space<hbm>>, %arg7: memref<2x10240x128xf32, #tpu.memory_space<hbm>>, %arg8: memref<2x10240xf32, #tpu.memory_space<hbm>>, %arg9: memref<3x8x64xi32, #tpu.memory_space<vmem>>, %arg10: memref<3x8x64xi32, #tpu.memory_space<vmem>>, %arg11: memref<5x64x128xf32, #tpu.memory_space<vmem>>, %arg12: memref<2x64xf32, #tpu.memory_space<vmem>>, %arg13: memref<10240x128xf32, #tpu.memory_space<vmem_shared>>, %arg14: memref<10240xf32, #tpu.memory_space<vmem_shared>>, %arg15: memref<10240xf32, #tpu.memory_space<vmem_shared>>, %arg16: memref<3x!tpu.dma_semaphore, #tpu.memory_space<semaphore_mem>>, %arg17: memref<5x!tpu.dma_semaphore, #tpu.memory_space<semaphore_mem>>, %arg18: memref<5x!tpu.dma_semaphore, #tpu.memory_space<semaphore_mem>>, %arg19: memref<2x!tpu.dma_semaphore, #tpu.memory_space<semaphore_mem>>, %arg20: memref<2x!tpu.dma_semaphore, #tpu.memory_space<semaphore_mem>>) attributes {dimension_semantics = [#tpu.dimension_semantics<core_parallel>, #tpu.dimension_semantics<subcore_parallel>], iteration_bounds = array<i64: 2, 16>, scalar_prefetch = 0 : i64, scratch_operands = 12 : i64, tpu.core_type = #tpu.core_type<sc_vector_subcore>, window_params = [{transform_indices = #map}, {transform_indices = #map}, {transform_indices = #map}, {transform_indices = #map1}, {transform_indices = #map1}, {transform_indices = #map2}, {transform_indices = #map}]} {
    %mul3A = arith.constant 16 : i32
    %mul3A_0 = arith.muli %arg0, %mul3A : i32
    %add3A = arith.addi %mul3A_0, %arg1 : i32
    %scan3A = arith.constant 0 : i32
    %scan3A_1 = arith.constant 64 : i32
    %scan3A_2 = arith.addi %scan3A, %scan3A_1 : i32
    %scan3A_3 = arith.constant 1 : i32
    scf.for %scan3A_248 = %scan3A to %scan3A_2 step %scan3A_3  : i32 {
      %broadcast_in_dim3A = arith.constant 0.000000e+00 : f32
      %broadcast_in_dim3A_249 = vector.broadcast %broadcast_in_dim3A : f32 to vector<16xf32>
      %swap3A = arith.constant 0 : i32
      %swap3A_250 = arith.index_cast %swap3A : i32 to index
      %swap3A_251 = arith.index_cast %scan3A_248 : i32 to index
      %swap3A_252 = arith.constant 0 : index
      %swap3A_253 = tpu.vector_load %arg11[%swap3A_250, %swap3A_251, %swap3A_252] {strides = array<i32>} : memref<5x64x128xf32, #tpu.memory_space<vmem>>, vector<1x1x16xf32>,
      %swap3A_254 = vector.shape_cast %swap3A_253 : vector<1x1x16xf32> to vector<16xf32>
      %swap3A_255 = vector.shape_cast %broadcast_in_dim3A_249 : vector<16xf32> to vector<1x1x16xf32>
      tpu.vector_store %arg11[%swap3A_250, %swap3A_251, %swap3A_252], %swap3A_255 {strides = array<i32>} : memref<5x64x128xf32, #tpu.memory_space<vmem>>, vector<1x1x16xf32>,
      %broadcast_in_dim3A_256 = arith.constant 0.000000e+00 : f32
      %broadcast_in_dim3A_257 = vector.broadcast %broadcast_in_dim3A_256 : f32 to vector<16xf32>
      %swap3A_258 = arith.constant 0 : i32
      %swap3A_259 = arith.index_cast %swap3A_258 : i32 to index
      %swap3A_260 = arith.index_cast %scan3A_248 : i32 to index
      %swap3A_261 = arith.constant 16 : index
      %swap3A_262 = tpu.vector_load %arg11[%swap3A_259, %swap3A_260, %swap3A_261] {strides = array<i32>} : memref<5x64x128xf32, #tpu.memory_space<vmem>>, vector<1x1x16xf32>,
      %swap3A_263 = vector.shape_cast %swap3A_262 : vector<1x1x16xf32> to vector<16xf32>
      %swap3A_264 = vector.shape_cast %broadcast_in_dim3A_257 : vector<16xf32> to vector<1x1x16xf32>
      tpu.vector_store %arg11[%swap3A_259, %swap3A_260, %swap3A_261], %swap3A_264 {strides = array<i32>} : memref<5x64x128xf32, #tpu.memory_space<vmem>>, vector<1x1x16xf32>,
      %broadcast_in_dim3A_265 = arith.constant 0.000000e+00 : f32
      %broadcast_in_dim3A_266 = vector.broadcast %broadcast_in_dim3A_265 : f32 to vector<16xf32>
      %swap3A_267 = arith.constant 0 : i32
      %swap3A_268 = arith.index_cast %swap3A_267 : i32 to index
      %swap3A_269 = arith.index_cast %scan3A_248 : i32 to index
      %swap3A_270 = arith.constant 32 : index
      %swap3A_271 = tpu.vector_load %arg11[%swap3A_268, %swap3A_269, %swap3A_270] {strides = array<i32>} : memref<5x64x128xf32, #tpu.memory_space<vmem>>, vector<1x1x16xf32>,
      %swap3A_272 = vector.shape_cast %swap3A_271 : vector<1x1x16xf32> to vector<16xf32>
      %swap3A_273 = vector.shape_cast %broadcast_in_dim3A_266 : vector<16xf32> to vector<1x1x16xf32>
      tpu.vector_store %arg11[%swap3A_268, %swap3A_269, %swap3A_270], %swap3A_273 {strides = array<i32>} : memref<5x64x128xf32, #tpu.memory_space<vmem>>, vector<1x1x16xf32>,
      %broadcast_in_dim3A_274 = arith.constant 0.000000e+00 : f32
      %broadcast_in_dim3A_275 = vector.broadcast %broadcast_in_dim3A_274 : f32 to vector<16xf32>
      %swap3A_276 = arith.constant 0 : i32
      %swap3A_277 = arith.index_cast %swap3A_276 : i32 to index
      %swap3A_278 = arith.index_cast %scan3A_248 : i32 to index
      %swap3A_279 = arith.constant 48 : index
      %swap3A_280 = tpu.vector_load %arg11[%swap3A_277, %swap3A_278, %swap3A_279] {strides = array<i32>} : memref<5x64x128xf32, #tpu.memory_space<vmem>>, vector<1x1x16xf32>,
      %swap3A_281 = vector.shape_cast %swap3A_280 : vector<1x1x16xf32> to vector<16xf32>
      %swap3A_282 = vector.shape_cast %broadcast_in_dim3A_275 : vector<16xf32> to vector<1x1x16xf32>
      tpu.vector_store %arg11[%swap3A_277, %swap3A_278, %swap3A_279], %swap3A_282 {strides = array<i32>} : memref<5x64x128xf32, #tpu.memory_space<vmem>>, vector<1x1x16xf32>,
      %broadcast_in_dim3A_283 = arith.constant 0.000000e+00 : f32
      %broadcast_in_dim3A_284 = vector.broadcast %broadcast_in_dim3A_283 : f32 to vector<16xf32>
      %swap3A_285 = arith.constant 0 : i32
      %swap3A_286 = arith.index_cast %swap3A_285 : i32 to index
      %swap3A_287 = arith.index_cast %scan3A_248 : i32 to index
      %swap3A_288 = arith.constant 64 : index
      %swap3A_289 = tpu.vector_load %arg11[%swap3A_286, %swap3A_287, %swap3A_288] {strides = array<i32>} : memref<5x64x128xf32, #tpu.memory_space<vmem>>, vector<1x1x16xf32>,
      %swap3A_290 = vector.shape_cast %swap3A_289 : vector<1x1x16xf32> to vector<16xf32>
      %swap3A_291 = vector.shape_cast %broadcast_in_dim3A_284 : vector<16xf32> to vector<1x1x16xf32>
      tpu.vector_store %arg11[%swap3A_286, %swap3A_287, %swap3A_288], %swap3A_291 {strides = array<i32>} : memref<5x64x128xf32, #tpu.memory_space<vmem>>, vector<1x1x16xf32>,
      %broadcast_in_dim3A_292 = arith.constant 0.000000e+00 : f32
      %broadcast_in_dim3A_293 = vector.broadcast %broadcast_in_dim3A_292 : f32 to vector<16xf32>
      %swap3A_294 = arith.constant 0 : i32
      %swap3A_295 = arith.index_cast %swap3A_294 : i32 to index
      %swap3A_296 = arith.index_cast %scan3A_248 : i32 to index
      %swap3A_297 = arith.constant 80 : index
      %swap3A_298 = tpu.vector_load %arg11[%swap3A_295, %swap3A_296, %swap3A_297] {strides = array<i32>} : memref<5x64x128xf32, #tpu.memory_space<vmem>>, vector<1x1x16xf32>,
      %swap3A_299 = vector.shape_cast %swap3A_298 : vector<1x1x16xf32> to vector<16xf32>
      %swap3A_300 = vector.shape_cast %broadcast_in_dim3A_293 : vector<16xf32> to vector<1x1x16xf32>
      tpu.vector_store %arg11[%swap3A_295, %swap3A_296, %swap3A_297], %swap3A_300 {strides = array<i32>} : memref<5x64x128xf32, #tpu.memory_space<vmem>>, vector<1x1x16xf32>,
      %broadcast_in_dim3A_301 = arith.constant 0.000000e+00 : f32
      %broadcast_in_dim3A_302 = vector.broadcast %broadcast_in_dim3A_301 : f32 to vector<16xf32>
      %swap3A_303 = arith.constant 0 : i32
      %swap3A_304 = arith.index_cast %swap3A_303 : i32 to index
      %swap3A_305 = arith.index_cast %scan3A_248 : i32 to index
      %swap3A_306 = arith.constant 96 : index
      %swap3A_307 = tpu.vector_load %arg11[%swap3A_304, %swap3A_305, %swap3A_306] {strides = array<i32>} : memref<5x64x128xf32, #tpu.memory_space<vmem>>, vector<1x1x16xf32>,
      %swap3A_308 = vector.shape_cast %swap3A_307 : vector<1x1x16xf32> to vector<16xf32>
      %swap3A_309 = vector.shape_cast %broadcast_in_dim3A_302 : vector<16xf32> to vector<1x1x16xf32>
      tpu.vector_store %arg11[%swap3A_304, %swap3A_305, %swap3A_306], %swap3A_309 {strides = array<i32>} : memref<5x64x128xf32, #tpu.memory_space<vmem>>, vector<1x1x16xf32>,
      %broadcast_in_dim3A_310 = arith.constant 0.000000e+00 : f32
      %broadcast_in_dim3A_311 = vector.broadcast %broadcast_in_dim3A_310 : f32 to vector<16xf32>
      %swap3A_312 = arith.constant 0 : i32
      %swap3A_313 = arith.index_cast %swap3A_312 : i32 to index
      %swap3A_314 = arith.index_cast %scan3A_248 : i32 to index
      %swap3A_315 = arith.constant 112 : index
      %swap3A_316 = tpu.vector_load %arg11[%swap3A_313, %swap3A_314, %swap3A_315] {strides = array<i32>} : memref<5x64x128xf32, #tpu.memory_space<vmem>>, vector<1x1x16xf32>,
      %swap3A_317 = vector.shape_cast %swap3A_316 : vector<1x1x16xf32> to vector<16xf32>
      %swap3A_318 = vector.shape_cast %broadcast_in_dim3A_311 : vector<16xf32> to vector<1x1x16xf32>
      tpu.vector_store %arg11[%swap3A_313, %swap3A_314, %swap3A_315], %swap3A_318 {strides = array<i32>} : memref<5x64x128xf32, #tpu.memory_space<vmem>>, vector<1x1x16xf32>,
    }
    %scan3A_4 = arith.constant 64 : i32
    %scan3A_5 = arith.constant 0 : i32
    %scan3A_6 = arith.constant 10 : i32
    %scan3A_7 = arith.addi %scan3A_5, %scan3A_6 : i32
    %scan3A_8 = arith.constant 1 : i32
    scf.for %scan3A_248 = %scan3A_5 to %scan3A_7 step %scan3A_8  : i32 {
      %mul3A_249 = arith.constant 640 : i32
      %mul3A_250 = arith.muli %arg1, %mul3A_249 : i32
      %mul3A_251 = arith.constant 64 : i32
      %mul3A_252 = arith.muli %scan3A_248, %mul3A_251 : i32
      %add3A_253 = arith.addi %mul3A_250, %mul3A_252 : i32
      %run_scoped3A = arith.constant 0 : i32
      "tpu.region"() ({
        %run_scoped3A_254 = tpu.sem_alloc : memref<!tpu.dma_semaphore, #tpu.memory_space<semaphore_mem>>
        %dma_start3A_255 = arith.constant 0 : i32
        %dma_start3A_256 = arith.constant 0 : i32
        %dma_start3A_257 = tpu.memref_slice %arg11[%run_scoped3A, %dma_start3A_255, %dma_start3A_256] : memref<5x64x128xf32, #tpu.memory_space<vmem>> -> memref<1x64x128xf32, #tpu.memory_space<vmem>>
        %dma_start3A_258 = tpu.memref_squeeze %dma_start3A_257 : memref<1x64x128xf32, #tpu.memory_space<vmem>> -> memref<64x128xf32, #tpu.memory_space<vmem>>
        %dma_start3A_259 = arith.constant 0 : i32
        %dma_start3A_260 = tpu.memref_slice %arg13[%add3A_253, %dma_start3A_259] : memref<10240x128xf32, #tpu.memory_space<vmem_shared>> -> memref<64x128xf32, #tpu.memory_space<vmem_shared>>
        %dma_start3A_261 = arith.constant 0 : i32
        %dma_start3A_262 = tpu.memref_slice %arg13[%add3A_253, %dma_start3A_261] : memref<10240x128xf32, #tpu.memory_space<vmem_shared>> -> memref<64x128xf32, #tpu.memory_space<vmem_shared>>
        %dma_start3A_263 = arith.constant 0 : i32
        %dma_start3A_264 = arith.constant 0 : i32
        %dma_start3A_265 = tpu.memref_slice %arg11[%run_scoped3A, %dma_start3A_263, %dma_start3A_264] : memref<5x64x128xf32, #tpu.memory_space<vmem>> -> memref<1x64x128xf32, #tpu.memory_space<vmem>>
        %dma_start3A_266 = tpu.memref_squeeze %dma_start3A_265 : memref<1x64x128xf32, #tpu.memory_space<vmem>> -> memref<64x128xf32, #tpu.memory_space<vmem>>
        tpu.enqueue_dma source(%dma_start3A_266 : memref<64x128xf32, #tpu.memory_space<vmem>>) target(%dma_start3A_262 : memref<64x128xf32, #tpu.memory_space<vmem_shared>>) target_semaphore(%run_scoped3A_254 : memref<!tpu.dma_semaphore, #tpu.memory_space<semaphore_mem>>)
        %dma_wait3A_267 = arith.constant 0 : i32
        %dma_wait3A_268 = arith.constant 0 : i32
        %dma_wait3A_269 = tpu.memref_slice %arg11[%run_scoped3A, %dma_wait3A_267, %dma_wait3A_268] : memref<5x64x128xf32, #tpu.memory_space<vmem>> -> memref<1x64x128xf32, #tpu.memory_space<vmem>>
        %dma_wait3A_270 = tpu.memref_squeeze %dma_wait3A_269 : memref<1x64x128xf32, #tpu.memory_space<vmem>> -> memref<64x128xf32, #tpu.memory_space<vmem>>
        %dma_wait3A_271 = arith.constant 0 : i32
        %dma_wait3A_272 = tpu.memref_slice %arg13[%add3A_253, %dma_wait3A_271] : memref<10240x128xf32, #tpu.memory_space<vmem_shared>> -> memref<64x128xf32, #tpu.memory_space<vmem_shared>>
        %dma_wait3A_273 = arith.constant 0 : i32
        %dma_wait3A_274 = tpu.memref_slice %arg13[%add3A_253, %dma_wait3A_273] : memref<10240x128xf32, #tpu.memory_space<vmem_shared>> -> memref<64x128xf32, #tpu.memory_space<vmem_shared>>
        %dma_wait3A_275 = arith.constant 0 : i32
        %dma_wait3A_276 = arith.constant 0 : i32
        %dma_wait3A_277 = tpu.memref_slice %arg11[%run_scoped3A, %dma_wait3A_275, %dma_wait3A_276] : memref<5x64x128xf32, #tpu.memory_space<vmem>> -> memref<1x64x128xf32, #tpu.memory_space<vmem>>
        %dma_wait3A_278 = tpu.memref_squeeze %dma_wait3A_277 : memref<1x64x128xf32, #tpu.memory_space<vmem>> -> memref<64x128xf32, #tpu.memory_space<vmem>>
        tpu.wait_dma2 semaphore(%run_scoped3A_254 : memref<!tpu.dma_semaphore, #tpu.memory_space<semaphore_mem>>) src(%dma_wait3A_278 : memref<64x128xf32, #tpu.memory_space<vmem>>) dst(%dma_wait3A_274 : memref<64x128xf32, #tpu.memory_space<vmem_shared>>)
        tpu.yield
      }) : () -> ()
    }
    %scan3A_9 = arith.constant 10 : i32
    %mul3A_10 = arith.constant 640 : i32
    %mul3A_11 = arith.muli %arg1, %mul3A_10 : i32
    "tpu.region"() ({
      %run_scoped3A = tpu.sem_alloc : memref<!tpu.dma_semaphore, #tpu.memory_space<semaphore_mem>>
      %dma_start3A_248 = tpu.memref_slice %arg14[%mul3A_11] : memref<10240xf32, #tpu.memory_space<vmem_shared>> -> memref<640xf32, #tpu.memory_space<vmem_shared>>
      tpu.enqueue_dma source(%arg6 : memref<640xf32, #tpu.memory_space<hbm>>) target(%dma_start3A_248 : memref<640xf32, #tpu.memory_space<vmem_shared>>) target_semaphore(%run_scoped3A : memref<!tpu.dma_semaphore, #tpu.memory_space<semaphore_mem>>)
      %dma_wait3A_249 = tpu.memref_slice %arg14[%mul3A_11] : memref<10240xf32, #tpu.memory_space<vmem_shared>> -> memref<640xf32, #tpu.memory_space<vmem_shared>>
      tpu.wait_dma2 semaphore(%run_scoped3A : memref<!tpu.dma_semaphore, #tpu.memory_space<semaphore_mem>>) src(%arg6 : memref<640xf32, #tpu.memory_space<hbm>>) dst(%dma_wait3A_249 : memref<640xf32, #tpu.memory_space<vmem_shared>>)
      tpu.yield
    }) : () -> ()
    %mul3A_12 = arith.constant 640 : i32
    %mul3A_13 = arith.muli %arg1, %mul3A_12 : i32
    %mul3A_14 = arith.constant 640 : i32
    %mul3A_15 = arith.muli %arg1, %mul3A_14 : i32
    "tpu.region"() ({
      %run_scoped3A = tpu.sem_alloc : memref<!tpu.dma_semaphore, #tpu.memory_space<semaphore_mem>>
      %dma_start3A_248 = tpu.memref_slice %arg15[%mul3A_15] : memref<10240xf32, #tpu.memory_space<vmem_shared>> -> memref<640xf32, #tpu.memory_space<vmem_shared>>
      %dma_start3A_249 = tpu.memref_slice %arg5[%mul3A_13] : memref<10240xf32, #tpu.memory_space<hbm>> -> memref<640xf32, #tpu.memory_space<hbm>>
      tpu.enqueue_dma source(%dma_start3A_249 : memref<640xf32, #tpu.memory_space<hbm>>) target(%dma_start3A_248 : memref<640xf32, #tpu.memory_space<vmem_shared>>) target_semaphore(%run_scoped3A : memref<!tpu.dma_semaphore, #tpu.memory_space<semaphore_mem>>)
      %dma_wait3A_250 = tpu.memref_slice %arg15[%mul3A_15] : memref<10240xf32, #tpu.memory_space<vmem_shared>> -> memref<640xf32, #tpu.memory_space<vmem_shared>>
      %dma_wait3A_251 = tpu.memref_slice %arg5[%mul3A_13] : memref<10240xf32, #tpu.memory_space<hbm>> -> memref<640xf32, #tpu.memory_space<hbm>>
      tpu.wait_dma2 semaphore(%run_scoped3A : memref<!tpu.dma_semaphore, #tpu.memory_space<semaphore_mem>>) src(%dma_wait3A_251 : memref<640xf32, #tpu.memory_space<hbm>>) dst(%dma_wait3A_250 : memref<640xf32, #tpu.memory_space<vmem_shared>>)
      tpu.yield
    }) : () -> ()
    %mul3A_16 = arith.constant 160 : i32
    %mul3A_17 = arith.muli %add3A, %mul3A_16 : i32
    %add3A_18 = arith.constant 0 : i32
    %add3A_19 = arith.addi %mul3A_17, %add3A_18 : i32
    %dma_start3A = arith.constant 0 : i32
    %dma_start3A_20 = arith.constant 0 : i32
    %dma_start3A_21 = arith.constant 0 : i32
    %dma_start3A_22 = arith.constant 0 : i32
    %dma_start3A_23 = tpu.memref_slice %arg9[%dma_start3A, %dma_start3A_21, %dma_start3A_22] : memref<3x8x64xi32, #tpu.memory_space<vmem>> -> memref<1x8x64xi32, #tpu.memory_space<vmem>>
    %dma_start3A_24 = tpu.memref_squeeze %dma_start3A_23 : memref<1x8x64xi32, #tpu.memory_space<vmem>> -> memref<8x64xi32, #tpu.memory_space<vmem>>
    %dma_start3A_25 = arith.constant 0 : i32
    %dma_start3A_26 = tpu.memref_slice %arg2[%add3A_19, %dma_start3A_25] : memref<5120x64xi32, #tpu.memory_space<hbm>> -> memref<8x64xi32, #tpu.memory_space<hbm>>
    %dma_start3A_27 = tpu.memref_slice %arg16[%dma_start3A_20] : memref<3x!tpu.dma_semaphore, #tpu.memory_space<semaphore_mem>> -> memref<1x!tpu.dma_semaphore, #tpu.memory_space<semaphore_mem>>
    %dma_start3A_28 = tpu.memref_squeeze %dma_start3A_27 : memref<1x!tpu.dma_semaphore, #tpu.memory_space<semaphore_mem>> -> memref<!tpu.dma_semaphore, #tpu.memory_space<semaphore_mem>>
    %dma_start3A_29 = arith.constant 0 : i32
    %dma_start3A_30 = arith.constant 0 : i32
    %dma_start3A_31 = tpu.memref_slice %arg9[%dma_start3A, %dma_start3A_29, %dma_start3A_30] : memref<3x8x64xi32, #tpu.memory_space<vmem>> -> memref<1x8x64xi32, #tpu.memory_space<vmem>>
    %dma_start3A_32 = tpu.memref_squeeze %dma_start3A_31 : memref<1x8x64xi32, #tpu.memory_space<vmem>> -> memref<8x64xi32, #tpu.memory_space<vmem>>
    %dma_start3A_33 = arith.constant 0 : i32
    %dma_start3A_34 = tpu.memref_slice %arg2[%add3A_19, %dma_start3A_33] : memref<5120x64xi32, #tpu.memory_space<hbm>> -> memref<8x64xi32, #tpu.memory_space<hbm>>
    tpu.enqueue_dma source(%dma_start3A_34 : memref<8x64xi32, #tpu.memory_space<hbm>>) target(%dma_start3A_32 : memref<8x64xi32, #tpu.memory_space<vmem>>) target_semaphore(%dma_start3A_28 : memref<!tpu.dma_semaphore, #tpu.memory_space<semaphore_mem>>)
    %add3A_35 = arith.constant 0 : i32
    %add3A_36 = arith.addi %mul3A_17, %add3A_35 : i32
    %dma_start3A_37 = arith.constant 0 : i32
    %dma_start3A_38 = arith.constant 0 : i32
    %dma_start3A_39 = arith.constant 0 : i32
    %dma_start3A_40 = arith.constant 0 : i32
    %dma_start3A_41 = tpu.memref_slice %arg10[%dma_start3A_37, %dma_start3A_39, %dma_start3A_40] : memref<3x8x64xi32, #tpu.memory_space<vmem>> -> memref<1x8x64xi32, #tpu.memory_space<vmem>>
    %dma_start3A_42 = tpu.memref_squeeze %dma_start3A_41 : memref<1x8x64xi32, #tpu.memory_space<vmem>> -> memref<8x64xi32, #tpu.memory_space<vmem>>
    %dma_start3A_43 = arith.constant 0 : i32
    %dma_start3A_44 = tpu.memref_slice %arg3[%add3A_36, %dma_start3A_43] : memref<5120x64xi32, #tpu.memory_space<hbm>> -> memref<8x64xi32, #tpu.memory_space<hbm>>
    %dma_start3A_45 = tpu.memref_slice %arg16[%dma_start3A_38] : memref<3x!tpu.dma_semaphore, #tpu.memory_space<semaphore_mem>> -> memref<1x!tpu.dma_semaphore, #tpu.memory_space<semaphore_mem>>
    %dma_start3A_46 = tpu.memref_squeeze %dma_start3A_45 : memref<1x!tpu.dma_semaphore, #tpu.memory_space<semaphore_mem>> -> memref<!tpu.dma_semaphore, #tpu.memory_space<semaphore_mem>>
    %dma_start3A_47 = arith.constant 0 : i32
    %dma_start3A_48 = arith.constant 0 : i32
    %dma_start3A_49 = tpu.memref_slice %arg10[%dma_start3A_37, %dma_start3A_47, %dma_start3A_48] : memref<3x8x64xi32, #tpu.memory_space<vmem>> -> memref<1x8x64xi32, #tpu.memory_space<vmem>>
    %dma_start3A_50 = tpu.memref_squeeze %dma_start3A_49 : memref<1x8x64xi32, #tpu.memory_space<vmem>> -> memref<8x64xi32, #tpu.memory_space<vmem>>
    %dma_start3A_51 = arith.constant 0 : i32
    %dma_start3A_52 = tpu.memref_slice %arg3[%add3A_36, %dma_start3A_51] : memref<5120x64xi32, #tpu.memory_space<hbm>> -> memref<8x64xi32, #tpu.memory_space<hbm>>
    tpu.enqueue_dma source(%dma_start3A_52 : memref<8x64xi32, #tpu.memory_space<hbm>>) target(%dma_start3A_50 : memref<8x64xi32, #tpu.memory_space<vmem>>) target_semaphore(%dma_start3A_46 : memref<!tpu.dma_semaphore, #tpu.memory_space<semaphore_mem>>)
    %dma_wait3A = arith.constant 0 : i32
    %dma_wait3A_53 = arith.constant 0 : i32
    %dma_wait3A_54 = arith.constant 0 : i32
    %dma_wait3A_55 = arith.constant 0 : i32
    %dma_wait3A_56 = tpu.memref_slice %arg9[%dma_wait3A, %dma_wait3A_54, %dma_wait3A_55] : memref<3x8x64xi32, #tpu.memory_space<vmem>> -> memref<1x8x64xi32, #tpu.memory_space<vmem>>
    %dma_wait3A_57 = tpu.memref_squeeze %dma_wait3A_56 : memref<1x8x64xi32, #tpu.memory_space<vmem>> -> memref<8x64xi32, #tpu.memory_space<vmem>>
    %dma_wait3A_58 = arith.constant 0 : i32
    %dma_wait3A_59 = arith.constant 0 : i32
    %dma_wait3A_60 = tpu.memref_slice %arg2[%dma_wait3A_58, %dma_wait3A_59] : memref<5120x64xi32, #tpu.memory_space<hbm>> -> memref<8x64xi32, #tpu.memory_space<hbm>>
    %dma_wait3A_61 = tpu.memref_slice %arg16[%dma_wait3A_53] : memref<3x!tpu.dma_semaphore, #tpu.memory_space<semaphore_mem>> -> memref<1x!tpu.dma_semaphore, #tpu.memory_space<semaphore_mem>>
    %dma_wait3A_62 = tpu.memref_squeeze %dma_wait3A_61 : memref<1x!tpu.dma_semaphore, #tpu.memory_space<semaphore_mem>> -> memref<!tpu.dma_semaphore, #tpu.memory_space<semaphore_mem>>
    %dma_wait3A_63 = arith.constant 0 : i32
    %dma_wait3A_64 = arith.constant 0 : i32
    %dma_wait3A_65 = tpu.memref_slice %arg9[%dma_wait3A, %dma_wait3A_63, %dma_wait3A_64] : memref<3x8x64xi32, #tpu.memory_space<vmem>> -> memref<1x8x64xi32, #tpu.memory_space<vmem>>
    %dma_wait3A_66 = tpu.memref_squeeze %dma_wait3A_65 : memref<1x8x64xi32, #tpu.memory_space<vmem>> -> memref<8x64xi32, #tpu.memory_space<vmem>>
    %dma_wait3A_67 = arith.constant 0 : i32
    %dma_wait3A_68 = arith.constant 0 : i32
    %dma_wait3A_69 = tpu.memref_slice %arg2[%dma_wait3A_67, %dma_wait3A_68] : memref<5120x64xi32, #tpu.memory_space<hbm>> -> memref<8x64xi32, #tpu.memory_space<hbm>>
    tpu.wait_dma2 semaphore(%dma_wait3A_62 : memref<!tpu.dma_semaphore, #tpu.memory_space<semaphore_mem>>) src(%dma_wait3A_69 : memref<8x64xi32, #tpu.memory_space<hbm>>) dst(%dma_wait3A_66 : memref<8x64xi32, #tpu.memory_space<vmem>>)
    %dma_wait3A_70 = arith.constant 0 : i32
    %dma_wait3A_71 = arith.constant 0 : i32
    %dma_wait3A_72 = arith.constant 0 : i32
    %dma_wait3A_73 = arith.constant 0 : i32
    %dma_wait3A_74 = tpu.memref_slice %arg10[%dma_wait3A_70, %dma_wait3A_72, %dma_wait3A_73] : memref<3x8x64xi32, #tpu.memory_space<vmem>> -> memref<1x8x64xi32, #tpu.memory_space<vmem>>
    %dma_wait3A_75 = tpu.memref_squeeze %dma_wait3A_74 : memref<1x8x64xi32, #tpu.memory_space<vmem>> -> memref<8x64xi32, #tpu.memory_space<vmem>>
    %dma_wait3A_76 = arith.constant 0 : i32
    %dma_wait3A_77 = arith.constant 0 : i32
    %dma_wait3A_78 = tpu.memref_slice %arg2[%dma_wait3A_76, %dma_wait3A_77] : memref<5120x64xi32, #tpu.memory_space<hbm>> -> memref<8x64xi32, #tpu.memory_space<hbm>>
    %dma_wait3A_79 = tpu.memref_slice %arg16[%dma_wait3A_71] : memref<3x!tpu.dma_semaphore, #tpu.memory_space<semaphore_mem>> -> memref<1x!tpu.dma_semaphore, #tpu.memory_space<semaphore_mem>>
    %dma_wait3A_80 = tpu.memref_squeeze %dma_wait3A_79 : memref<1x!tpu.dma_semaphore, #tpu.memory_space<semaphore_mem>> -> memref<!tpu.dma_semaphore, #tpu.memory_space<semaphore_mem>>
    %dma_wait3A_81 = arith.constant 0 : i32
    %dma_wait3A_82 = arith.constant 0 : i32
    %dma_wait3A_83 = tpu.memref_slice %arg10[%dma_wait3A_70, %dma_wait3A_81, %dma_wait3A_82] : memref<3x8x64xi32, #tpu.memory_space<vmem>> -> memref<1x8x64xi32, #tpu.memory_space<vmem>>
    %dma_wait3A_84 = tpu.memref_squeeze %dma_wait3A_83 : memref<1x8x64xi32, #tpu.memory_space<vmem>> -> memref<8x64xi32, #tpu.memory_space<vmem>>
    %dma_wait3A_85 = arith.constant 0 : i32
    %dma_wait3A_86 = arith.constant 0 : i32
    %dma_wait3A_87 = tpu.memref_slice %arg2[%dma_wait3A_85, %dma_wait3A_86] : memref<5120x64xi32, #tpu.memory_space<hbm>> -> memref<8x64xi32, #tpu.memory_space<hbm>>
    tpu.wait_dma2 semaphore(%dma_wait3A_80 : memref<!tpu.dma_semaphore, #tpu.memory_space<semaphore_mem>>) src(%dma_wait3A_87 : memref<8x64xi32, #tpu.memory_space<hbm>>) dst(%dma_wait3A_84 : memref<8x64xi32, #tpu.memory_space<vmem>>)
    %add3A_88 = arith.constant 8 : i32
    %add3A_89 = arith.addi %mul3A_17, %add3A_88 : i32
    %dma_start3A_90 = arith.constant 1 : i32
    %dma_start3A_91 = arith.constant 1 : i32
    %dma_start3A_92 = arith.constant 0 : i32
    %dma_start3A_93 = arith.constant 0 : i32
    %dma_start3A_94 = tpu.memref_slice %arg9[%dma_start3A_90, %dma_start3A_92, %dma_start3A_93] : memref<3x8x64xi32, #tpu.memory_space<vmem>> -> memref<1x8x64xi32, #tpu.memory_space<vmem>>
    %dma_start3A_95 = tpu.memref_squeeze %dma_start3A_94 : memref<1x8x64xi32, #tpu.memory_space<vmem>> -> memref<8x64xi32, #tpu.memory_space<vmem>>
    %dma_start3A_96 = arith.constant 0 : i32
    %dma_start3A_97 = tpu.memref_slice %arg2[%add3A_89, %dma_start3A_96] : memref<5120x64xi32, #tpu.memory_space<hbm>> -> memref<8x64xi32, #tpu.memory_space<hbm>>
    %dma_start3A_98 = tpu.memref_slice %arg16[%dma_start3A_91] : memref<3x!tpu.dma_semaphore, #tpu.memory_space<semaphore_mem>> -> memref<1x!tpu.dma_semaphore, #tpu.memory_space<semaphore_mem>>
    %dma_start3A_99 = tpu.memref_squeeze %dma_start3A_98 : memref<1x!tpu.dma_semaphore, #tpu.memory_space<semaphore_mem>> -> memref<!tpu.dma_semaphore, #tpu.memory_space<semaphore_mem>>
    %dma_start3A_100 = arith.constant 0 : i32
    %dma_start3A_101 = arith.constant 0 : i32
    %dma_start3A_102 = tpu.memref_slice %arg9[%dma_start3A_90, %dma_start3A_100, %dma_start3A_101] : memref<3x8x64xi32, #tpu.memory_space<vmem>> -> memref<1x8x64xi32, #tpu.memory_space<vmem>>
    %dma_start3A_103 = tpu.memref_squeeze %dma_start3A_102 : memref<1x8x64xi32, #tpu.memory_space<vmem>> -> memref<8x64xi32, #tpu.memory_space<vmem>>
    %dma_start3A_104 = arith.constant 0 : i32
    %dma_start3A_105 = tpu.memref_slice %arg2[%add3A_89, %dma_start3A_104] : memref<5120x64xi32, #tpu.memory_space<hbm>> -> memref<8x64xi32, #tpu.memory_space<hbm>>
    tpu.enqueue_dma source(%dma_start3A_105 : memref<8x64xi32, #tpu.memory_space<hbm>>) target(%dma_start3A_103 : memref<8x64xi32, #tpu.memory_space<vmem>>) target_semaphore(%dma_start3A_99 : memref<!tpu.dma_semaphore, #tpu.memory_space<semaphore_mem>>)
    %add3A_106 = arith.constant 8 : i32
    %add3A_107 = arith.addi %mul3A_17, %add3A_106 : i32
    %dma_start3A_108 = arith.constant 1 : i32
    %dma_start3A_109 = arith.constant 1 : i32
    %dma_start3A_110 = arith.constant 0 : i32
    %dma_start3A_111 = arith.constant 0 : i32
    %dma_start3A_112 = tpu.memref_slice %arg10[%dma_start3A_108, %dma_start3A_110, %dma_start3A_111] : memref<3x8x64xi32, #tpu.memory_space<vmem>> -> memref<1x8x64xi32, #tpu.memory_space<vmem>>
    %dma_start3A_113 = tpu.memref_squeeze %dma_start3A_112 : memref<1x8x64xi32, #tpu.memory_space<vmem>> -> memref<8x64xi32, #tpu.memory_space<vmem>>
    %dma_start3A_114 = arith.constant 0 : i32
    %dma_start3A_115 = tpu.memref_slice %arg3[%add3A_107, %dma_start3A_114] : memref<5120x64xi32, #tpu.memory_space<hbm>> -> memref<8x64xi32, #tpu.memory_space<hbm>>
    %dma_start3A_116 = tpu.memref_slice %arg16[%dma_start3A_109] : memref<3x!tpu.dma_semaphore, #tpu.memory_space<semaphore_mem>> -> memref<1x!tpu.dma_semaphore, #tpu.memory_space<semaphore_mem>>
    %dma_start3A_117 = tpu.memref_squeeze %dma_start3A_116 : memref<1x!tpu.dma_semaphore, #tpu.memory_space<semaphore_mem>> -> memref<!tpu.dma_semaphore, #tpu.memory_space<semaphore_mem>>
    %dma_start3A_118 = arith.constant 0 : i32
    %dma_start3A_119 = arith.constant 0 : i32
    %dma_start3A_120 = tpu.memref_slice %arg10[%dma_start3A_108, %dma_start3A_118, %dma_start3A_119] : memref<3x8x64xi32, #tpu.memory_space<vmem>> -> memref<1x8x64xi32, #tpu.memory_space<vmem>>
    %dma_start3A_121 = tpu.memref_squeeze %dma_start3A_120 : memref<1x8x64xi32, #tpu.memory_space<vmem>> -> memref<8x64xi32, #tpu.memory_space<vmem>>
    %dma_start3A_122 = arith.constant 0 : i32
    %dma_start3A_123 = tpu.memref_slice %arg3[%add3A_107, %dma_start3A_122] : memref<5120x64xi32, #tpu.memory_space<hbm>> -> memref<8x64xi32, #tpu.memory_space<hbm>>
    tpu.enqueue_dma source(%dma_start3A_123 : memref<8x64xi32, #tpu.memory_space<hbm>>) target(%dma_start3A_121 : memref<8x64xi32, #tpu.memory_space<vmem>>) target_semaphore(%dma_start3A_117 : memref<!tpu.dma_semaphore, #tpu.memory_space<semaphore_mem>>)
    %barrier3A = arith.constant 0 : index
    tpu.barrier barrier_id(%barrier3A)
    %dma_start3A_124 = arith.constant 0 : i32
    %dma_start3A_125 = arith.constant 0 : i32
    %dma_start3A_126 = arith.constant 0 : i32
    %dma_start3A_127 = arith.constant 0 : i32
    %dma_start3A_128 = arith.constant 0 : i32
    %dma_start3A_129 = arith.constant 0 : i32
    %dma_start3A_130 = tpu.memref_slice %arg11[%dma_start3A_126, %dma_start3A_128, %dma_start3A_129] : memref<5x64x128xf32, #tpu.memory_space<vmem>> -> memref<1x64x128xf32, #tpu.memory_space<vmem>>
    %dma_start3A_131 = tpu.memref_squeeze %dma_start3A_130 : memref<1x64x128xf32, #tpu.memory_space<vmem>> -> memref<64x128xf32, #tpu.memory_space<vmem>>
    %dma_start3A_132 = arith.constant 0 : i32
    %dma_start3A_133 = tpu.memref_slice %arg9[%dma_start3A_124, %dma_start3A_125, %dma_start3A_132] : memref<3x8x64xi32, #tpu.memory_space<vmem>> -> memref<1x1x64xi32, #tpu.memory_space<vmem>>
    %dma_start3A_134 = tpu.memref_squeeze %dma_start3A_133 : memref<1x1x64xi32, #tpu.memory_space<vmem>> -> memref<64xi32, #tpu.memory_space<vmem>>
    %dma_start3A_135 = arith.constant 0 : i32
    %dma_start3A_136 = arith.constant 0 : i32
    %dma_start3A_137 = tpu.memref_slice %arg4[%dma_start3A_135, %dma_start3A_136] : memref<10240x128xf32, #tpu.memory_space<hbm>> -> memref<10240x128xf32, #tpu.memory_space<hbm>>
    %dma_start3A_138 = tpu.memref_slice %arg17[%dma_start3A_127] : memref<5x!tpu.dma_semaphore, #tpu.memory_space<semaphore_mem>> -> memref<1x!tpu.dma_semaphore, #tpu.memory_space<semaphore_mem>>
    %dma_start3A_139 = tpu.memref_squeeze %dma_start3A_138 : memref<1x!tpu.dma_semaphore, #tpu.memory_space<semaphore_mem>> -> memref<!tpu.dma_semaphore, #tpu.memory_space<semaphore_mem>>
    tpu.enqueue_indirect_dma source(%dma_start3A_137 : memref<10240x128xf32, #tpu.memory_space<hbm>>) target(%dma_start3A_131 : memref<64x128xf32, #tpu.memory_space<vmem>>) offsets(%dma_start3A_134 : memref<64xi32, #tpu.memory_space<vmem>>) semaphore(%dma_start3A_139 : memref<!tpu.dma_semaphore, #tpu.memory_space<semaphore_mem>>)
    %dma_start3A_140 = arith.constant 0 : i32
    %dma_start3A_141 = arith.constant 1 : i32
    %dma_start3A_142 = arith.constant 1 : i32
    %dma_start3A_143 = arith.constant 1 : i32
    %dma_start3A_144 = arith.constant 0 : i32
    %dma_start3A_145 = arith.constant 0 : i32
    %dma_start3A_146 = tpu.memref_slice %arg11[%dma_start3A_142, %dma_start3A_144, %dma_start3A_145] : memref<5x64x128xf32, #tpu.memory_space<vmem>> -> memref<1x64x128xf32, #tpu.memory_space<vmem>>
    %dma_start3A_147 = tpu.memref_squeeze %dma_start3A_146 : memref<1x64x128xf32, #tpu.memory_space<vmem>> -> memref<64x128xf32, #tpu.memory_space<vmem>>
    %dma_start3A_148 = arith.constant 0 : i32
    %dma_start3A_149 = tpu.memref_slice %arg9[%dma_start3A_140, %dma_start3A_141, %dma_start3A_148] : memref<3x8x64xi32, #tpu.memory_space<vmem>> -> memref<1x1x64xi32, #tpu.memory_space<vmem>>
    %dma_start3A_150 = tpu.memref_squeeze %dma_start3A_149 : memref<1x1x64xi32, #tpu.memory_space<vmem>> -> memref<64xi32, #tpu.memory_space<vmem>>
    %dma_start3A_151 = arith.constant 0 : i32
    %dma_start3A_152 = arith.constant 0 : i32
    %dma_start3A_153 = tpu.memref_slice %arg4[%dma_start3A_151, %dma_start3A_152] : memref<10240x128xf32, #tpu.memory_space<hbm>> -> memref<10240x128xf32, #tpu.memory_space<hbm>>
    %dma_start3A_154 = tpu.memref_slice %arg17[%dma_start3A_143] : memref<5x!tpu.dma_semaphore, #tpu.memory_space<semaphore_mem>> -> memref<1x!tpu.dma_semaphore, #tpu.memory_space<semaphore_mem>>
    %dma_start3A_155 = tpu.memref_squeeze %dma_start3A_154 : memref<1x!tpu.dma_semaphore, #tpu.memory_space<semaphore_mem>> -> memref<!tpu.dma_semaphore, #tpu.memory_space<semaphore_mem>>
    tpu.enqueue_indirect_dma source(%dma_start3A_153 : memref<10240x128xf32, #tpu.memory_space<hbm>>) target(%dma_start3A_147 : memref<64x128xf32, #tpu.memory_space<vmem>>) offsets(%dma_start3A_150 : memref<64xi32, #tpu.memory_space<vmem>>) semaphore(%dma_start3A_155 : memref<!tpu.dma_semaphore, #tpu.memory_space<semaphore_mem>>)
    %dma_start3A_156 = arith.constant 0 : i32
    %dma_start3A_157 = arith.constant 2 : i32
    %dma_start3A_158 = arith.constant 2 : i32
    %dma_start3A_159 = arith.constant 2 : i32
    %dma_start3A_160 = arith.constant 0 : i32
    %dma_start3A_161 = arith.constant 0 : i32
    %dma_start3A_162 = tpu.memref_slice %arg11[%dma_start3A_158, %dma_start3A_160, %dma_start3A_161] : memref<5x64x128xf32, #tpu.memory_space<vmem>> -> memref<1x64x128xf32, #tpu.memory_space<vmem>>
    %dma_start3A_163 = tpu.memref_squeeze %dma_start3A_162 : memref<1x64x128xf32, #tpu.memory_space<vmem>> -> memref<64x128xf32, #tpu.memory_space<vmem>>
    %dma_start3A_164 = arith.constant 0 : i32
    %dma_start3A_165 = tpu.memref_slice %arg9[%dma_start3A_156, %dma_start3A_157, %dma_start3A_164] : memref<3x8x64xi32, #tpu.memory_space<vmem>> -> memref<1x1x64xi32, #tpu.memory_space<vmem>>
    %dma_start3A_166 = tpu.memref_squeeze %dma_start3A_165 : memref<1x1x64xi32, #tpu.memory_space<vmem>> -> memref<64xi32, #tpu.memory_space<vmem>>
    %dma_start3A_167 = arith.constant 0 : i32
    %dma_start3A_168 = arith.constant 0 : i32
    %dma_start3A_169 = tpu.memref_slice %arg4[%dma_start3A_167, %dma_start3A_168] : memref<10240x128xf32, #tpu.memory_space<hbm>> -> memref<10240x128xf32, #tpu.memory_space<hbm>>
    %dma_start3A_170 = tpu.memref_slice %arg17[%dma_start3A_159] : memref<5x!tpu.dma_semaphore, #tpu.memory_space<semaphore_mem>> -> memref<1x!tpu.dma_semaphore, #tpu.memory_space<semaphore_mem>>
    %dma_start3A_171 = tpu.memref_squeeze %dma_start3A_170 : memref<1x!tpu.dma_semaphore, #tpu.memory_space<semaphore_mem>> -> memref<!tpu.dma_semaphore, #tpu.memory_space<semaphore_mem>>
    tpu.enqueue_indirect_dma source(%dma_start3A_169 : memref<10240x128xf32, #tpu.memory_space<hbm>>) target(%dma_start3A_163 : memref<64x128xf32, #tpu.memory_space<vmem>>) offsets(%dma_start3A_166 : memref<64xi32, #tpu.memory_space<vmem>>) semaphore(%dma_start3A_171 : memref<!tpu.dma_semaphore, #tpu.memory_space<semaphore_mem>>)
    %dma_start3A_172 = arith.constant 0 : i32
    %dma_start3A_173 = arith.constant 3 : i32
    %dma_start3A_174 = arith.constant 3 : i32
    %dma_start3A_175 = arith.constant 3 : i32
    %dma_start3A_176 = arith.constant 0 : i32
    %dma_start3A_177 = arith.constant 0 : i32
    %dma_start3A_178 = tpu.memref_slice %arg11[%dma_start3A_174, %dma_start3A_176, %dma_start3A_177] : memref<5x64x128xf32, #tpu.memory_space<vmem>> -> memref<1x64x128xf32, #tpu.memory_space<vmem>>
    %dma_start3A_179 = tpu.memref_squeeze %dma_start3A_178 : memref<1x64x128xf32, #tpu.memory_space<vmem>> -> memref<64x128xf32, #tpu.memory_space<vmem>>
    %dma_start3A_180 = arith.constant 0 : i32
    %dma_start3A_181 = tpu.memref_slice %arg9[%dma_start3A_172, %dma_start3A_173, %dma_start3A_180] : memref<3x8x64xi32, #tpu.memory_space<vmem>> -> memref<1x1x64xi32, #tpu.memory_space<vmem>>
    %dma_start3A_182 = tpu.memref_squeeze %dma_start3A_181 : memref<1x1x64xi32, #tpu.memory_space<vmem>> -> memref<64xi32, #tpu.memory_space<vmem>>
    %dma_start3A_183 = arith.constant 0 : i32
    %dma_start3A_184 = arith.constant 0 : i32
    %dma_start3A_185 = tpu.memref_slice %arg4[%dma_start3A_183, %dma_start3A_184] : memref<10240x128xf32, #tpu.memory_space<hbm>> -> memref<10240x128xf32, #tpu.memory_space<hbm>>
    %dma_start3A_186 = tpu.memref_slice %arg17[%dma_start3A_175] : memref<5x!tpu.dma_semaphore, #tpu.memory_space<semaphore_mem>> -> memref<1x!tpu.dma_semaphore, #tpu.memory_space<semaphore_mem>>
    %dma_start3A_187 = tpu.memref_squeeze %dma_start3A_186 : memref<1x!tpu.dma_semaphore, #tpu.memory_space<semaphore_mem>> -> memref<!tpu.dma_semaphore, #tpu.memory_space<semaphore_mem>>
    tpu.enqueue_indirect_dma source(%dma_start3A_185 : memref<10240x128xf32, #tpu.memory_space<hbm>>) target(%dma_start3A_179 : memref<64x128xf32, #tpu.memory_space<vmem>>) offsets(%dma_start3A_182 : memref<64xi32, #tpu.memory_space<vmem>>) semaphore(%dma_start3A_187 : memref<!tpu.dma_semaphore, #tpu.memory_space<semaphore_mem>>)
    %dma_start3A_188 = arith.constant 0 : i32
    %dma_start3A_189 = arith.constant 0 : i32
    %dma_start3A_190 = arith.constant 0 : i32
    %dma_start3A_191 = arith.constant 0 : i32
    %dma_start3A_192 = arith.constant 0 : i32
    %dma_start3A_193 = tpu.memref_slice %arg12[%dma_start3A_190, %dma_start3A_192] : memref<2x64xf32, #tpu.memory_space<vmem>> -> memref<1x64xf32, #tpu.memory_space<vmem>>
    %dma_start3A_194 = tpu.memref_squeeze %dma_start3A_193 : memref<1x64xf32, #tpu.memory_space<vmem>> -> memref<64xf32, #tpu.memory_space<vmem>>
    %dma_start3A_195 = arith.constant 0 : i32
    %dma_start3A_196 = tpu.memref_slice %arg10[%dma_start3A_188, %dma_start3A_189, %dma_start3A_195] : memref<3x8x64xi32, #tpu.memory_space<vmem>> -> memref<1x1x64xi32, #tpu.memory_space<vmem>>
    %dma_start3A_197 = tpu.memref_squeeze %dma_start3A_196 : memref<1x1x64xi32, #tpu.memory_space<vmem>> -> memref<64xi32, #tpu.memory_space<vmem>>
    %dma_start3A_198 = arith.constant 0 : i32
    %dma_start3A_199 = tpu.memref_slice %arg15[%dma_start3A_198] : memref<10240xf32, #tpu.memory_space<vmem_shared>> -> memref<10240xf32, #tpu.memory_space<vmem_shared>>
    %dma_start3A_200 = tpu.memref_slice %arg19[%dma_start3A_191] : memref<2x!tpu.dma_semaphore, #tpu.memory_space<semaphore_mem>> -> memref<1x!tpu.dma_semaphore, #tpu.memory_space<semaphore_mem>>
    %dma_start3A_201 = tpu.memref_squeeze %dma_start3A_200 : memref<1x!tpu.dma_semaphore, #tpu.memory_space<semaphore_mem>> -> memref<!tpu.dma_semaphore, #tpu.memory_space<semaphore_mem>>
    tpu.enqueue_indirect_dma source(%dma_start3A_199 : memref<10240xf32, #tpu.memory_space<vmem_shared>>) target(%dma_start3A_194 : memref<64xf32, #tpu.memory_space<vmem>>) offsets(%dma_start3A_197 : memref<64xi32, #tpu.memory_space<vmem>>) semaphore(%dma_start3A_201 : memref<!tpu.dma_semaphore, #tpu.memory_space<semaphore_mem>>)
    %scan3A_202 = arith.constant 0 : i32
    %scan3A_203 = arith.constant 160 : i32
    %scan3A_204 = arith.addi %scan3A_202, %scan3A_203 : i32
    %scan3A_205 = arith.constant 1 : i32
    scf.for %scan3A_248 = %scan3A_202 to %scan3A_204 step %scan3A_205  : i32 {
      %jit3A = arith.constant 5 : i32
      %eq3A = arith.constant 0 : i32
      %eq3A_249 = arith.cmpi eq, %jit3A, %eq3A : i32
      %jit3A_250 = arith.constant 1 : i32
      %select_n3A = arith.select %eq3A_249, %jit3A_250, %jit3A : i32
      %rem3A = arith.remsi %scan3A_248, %select_n3A : i32
      %ne3A = arith.constant 0 : i32
      %ne3A_251 = arith.cmpi ne, %rem3A, %ne3A : i32
      %lt3A = arith.constant 0 : i32
      %lt3A_252 = arith.cmpi slt, %rem3A, %lt3A : i32
      %lt3A_253 = arith.constant 0 : i32
      %lt3A_254 = arith.cmpi slt, %select_n3A, %lt3A_253 : i32
      %ne3A_255 = arith.xori %lt3A_252, %lt3A_254 : i1
      %and3A = arith.andi %ne3A_255, %ne3A_251 : i1
      %add3A_256 = arith.addi %rem3A, %select_n3A : i32
      %select_n3A_257 = arith.select %and3A, %add3A_256, %rem3A : i32
      %jit3A_258 = arith.constant 2 : i32
      %eq3A_259 = arith.constant 0 : i32
      %eq3A_260 = arith.cmpi eq, %jit3A_258, %eq3A_259 : i32
      %jit3A_261 = arith.constant 1 : i32
      %select_n3A_262 = arith.select %eq3A_260, %jit3A_261, %jit3A_258 : i32
      %rem3A_263 = arith.remsi %scan3A_248, %select_n3A_262 : i32
      %ne3A_264 = arith.constant 0 : i32
      %ne3A_265 = arith.cmpi ne, %rem3A_263, %ne3A_264 : i32
      %lt3A_266 = arith.constant 0 : i32
      %lt3A_267 = arith.cmpi slt, %rem3A_263, %lt3A_266 : i32
      %lt3A_268 = arith.constant 0 : i32
      %lt3A_269 = arith.cmpi slt, %select_n3A_262, %lt3A_268 : i32
      %ne3A_270 = arith.xori %lt3A_267, %lt3A_269 : i1
      %and3A_271 = arith.andi %ne3A_270, %ne3A_265 : i1
      %add3A_272 = arith.addi %rem3A_263, %select_n3A_262 : i32
      %select_n3A_273 = arith.select %and3A_271, %add3A_272, %rem3A_263 : i32
      %dma_wait3A_274 = arith.constant 0 : i32
      %dma_wait3A_275 = arith.constant 0 : i32
      %dma_wait3A_276 = tpu.memref_slice %arg11[%select_n3A_257, %dma_wait3A_274, %dma_wait3A_275] : memref<5x64x128xf32, #tpu.memory_space<vmem>> -> memref<1x64x128xf32, #tpu.memory_space<vmem>>
      %dma_wait3A_277 = tpu.memref_squeeze %dma_wait3A_276 : memref<1x64x128xf32, #tpu.memory_space<vmem>> -> memref<64x128xf32, #tpu.memory_space<vmem>>
      %dma_wait3A_278 = arith.constant 0 : i32
      %dma_wait3A_279 = arith.constant 0 : i32
      %dma_wait3A_280 = tpu.memref_slice %arg4[%dma_wait3A_278, %dma_wait3A_279] : memref<10240x128xf32, #tpu.memory_space<hbm>> -> memref<64x128xf32, #tpu.memory_space<hbm>>
      %dma_wait3A_281 = tpu.memref_slice %arg17[%select_n3A_257] : memref<5x!tpu.dma_semaphore, #tpu.memory_space<semaphore_mem>> -> memref<1x!tpu.dma_semaphore, #tpu.memory_space<semaphore_mem>>
      %dma_wait3A_282 = tpu.memref_squeeze %dma_wait3A_281 : memref<1x!tpu.dma_semaphore, #tpu.memory_space<semaphore_mem>> -> memref<!tpu.dma_semaphore, #tpu.memory_space<semaphore_mem>>
      %dma_wait3A_283 = arith.constant 0 : i32
      %dma_wait3A_284 = arith.constant 0 : i32
      %dma_wait3A_285 = tpu.memref_slice %arg11[%select_n3A_257, %dma_wait3A_283, %dma_wait3A_284] : memref<5x64x128xf32, #tpu.memory_space<vmem>> -> memref<1x64x128xf32, #tpu.memory_space<vmem>>
      %dma_wait3A_286 = tpu.memref_squeeze %dma_wait3A_285 : memref<1x64x128xf32, #tpu.memory_space<vmem>> -> memref<64x128xf32, #tpu.memory_space<vmem>>
      %dma_wait3A_287 = arith.constant 0 : i32
      %dma_wait3A_288 = arith.constant 0 : i32
      %dma_wait3A_289 = tpu.memref_slice %arg4[%dma_wait3A_287, %dma_wait3A_288] : memref<10240x128xf32, #tpu.memory_space<hbm>> -> memref<64x128xf32, #tpu.memory_space<hbm>>
      tpu.wait_dma2 semaphore(%dma_wait3A_282 : memref<!tpu.dma_semaphore, #tpu.memory_space<semaphore_mem>>) src(%dma_wait3A_289 : memref<64x128xf32, #tpu.memory_space<hbm>>) dst(%dma_wait3A_286 : memref<64x128xf32, #tpu.memory_space<vmem>>)
      %jit3A_290 = arith.constant 8 : i32
      %div3A = arith.divsi %scan3A_248, %jit3A_290 : i32
      %sign3A = arith.constant 0 : i32
      %sign3A_291 = arith.cmpi sgt, %scan3A_248, %sign3A : i32
      %sign3A_292 = arith.extui %sign3A_291 : i1 to i32
      %sign3A_293 = arith.constant 0 : i32
      %sign3A_294 = arith.cmpi slt, %scan3A_248, %sign3A_293 : i32
      %sign3A_295 = arith.extui %sign3A_294 : i1 to i32
      %sign3A_296 = arith.subi %sign3A_292, %sign3A_295 : i32
      %sign3A_297 = arith.constant 0 : i32
      %sign3A_298 = arith.cmpi sgt, %jit3A_290, %sign3A_297 : i32
      %sign3A_299 = arith.extui %sign3A_298 : i1 to i32
      %sign3A_300 = arith.constant 0 : i32
      %sign3A_301 = arith.cmpi slt, %jit3A_290, %sign3A_300 : i32
      %sign3A_302 = arith.extui %sign3A_301 : i1 to i32
      %sign3A_303 = arith.subi %sign3A_299, %sign3A_302 : i32
      %ne3A_304 = arith.cmpi ne, %sign3A_296, %sign3A_303 : i32
      %rem3A_305 = arith.remsi %scan3A_248, %jit3A_290 : i32
      %ne3A_306 = arith.constant 0 : i32
      %ne3A_307 = arith.cmpi ne, %rem3A_305, %ne3A_306 : i32
      %and3A_308 = arith.andi %ne3A_304, %ne3A_307 : i1
      %sub3A = arith.constant 1 : i32
      %sub3A_309 = arith.subi %div3A, %sub3A : i32
      %select_n3A_310 = arith.select %and3A_308, %sub3A_309, %div3A : i32
      %jit3A_311 = arith.constant 3 : i32
      %eq3A_312 = arith.constant 0 : i32
      %eq3A_313 = arith.cmpi eq, %jit3A_311, %eq3A_312 : i32
      %jit3A_314 = arith.constant 1 : i32
      %select_n3A_315 = arith.select %eq3A_313, %jit3A_314, %jit3A_311 : i32
      %rem3A_316 = arith.remsi %select_n3A_310, %select_n3A_315 : i32
      %ne3A_317 = arith.constant 0 : i32
      %ne3A_318 = arith.cmpi ne, %rem3A_316, %ne3A_317 : i32
      %lt3A_319 = arith.constant 0 : i32
      %lt3A_320 = arith.cmpi slt, %rem3A_316, %lt3A_319 : i32
      %lt3A_321 = arith.constant 0 : i32
      %lt3A_322 = arith.cmpi slt, %select_n3A_315, %lt3A_321 : i32
      %ne3A_323 = arith.xori %lt3A_320, %lt3A_322 : i1
      %and3A_324 = arith.andi %ne3A_323, %ne3A_318 : i1
      %add3A_325 = arith.addi %rem3A_316, %select_n3A_315 : i32
      %select_n3A_326 = arith.select %and3A_324, %add3A_325, %rem3A_316 : i32
      %jit3A_327 = arith.constant 8 : i32
      %eq3A_328 = arith.constant 0 : i32
      %eq3A_329 = arith.cmpi eq, %jit3A_327, %eq3A_328 : i32
      %jit3A_330 = arith.constant 1 : i32
      %select_n3A_331 = arith.select %eq3A_329, %jit3A_330, %jit3A_327 : i32
      %rem3A_332 = arith.remsi %scan3A_248, %select_n3A_331 : i32
      %ne3A_333 = arith.constant 0 : i32
      %ne3A_334 = arith.cmpi ne, %rem3A_332, %ne3A_333 : i32
      %lt3A_335 = arith.constant 0 : i32
      %lt3A_336 = arith.cmpi slt, %rem3A_332, %lt3A_335 : i32
      %lt3A_337 = arith.constant 0 : i32
      %lt3A_338 = arith.cmpi slt, %select_n3A_331, %lt3A_337 : i32
      %ne3A_339 = arith.xori %lt3A_336, %lt3A_338 : i1
      %and3A_340 = arith.andi %ne3A_339, %ne3A_334 : i1
      %add3A_341 = arith.addi %rem3A_332, %select_n3A_331 : i32
      %select_n3A_342 = arith.select %and3A_340, %add3A_341, %rem3A_332 : i32
      %dma_start3A_343 = arith.constant 0 : i32
      %dma_start3A_344 = arith.constant 0 : i32
      %dma_start3A_345 = tpu.memref_slice %arg11[%select_n3A_257, %dma_start3A_343, %dma_start3A_344] : memref<5x64x128xf32, #tpu.memory_space<vmem>> -> memref<1x64x128xf32, #tpu.memory_space<vmem>>
      %dma_start3A_346 = tpu.memref_squeeze %dma_start3A_345 : memref<1x64x128xf32, #tpu.memory_space<vmem>> -> memref<64x128xf32, #tpu.memory_space<vmem>>
      %dma_start3A_347 = arith.constant 0 : i32
      %dma_start3A_348 = tpu.memref_slice %arg10[%select_n3A_326, %select_n3A_342, %dma_start3A_347] : memref<3x8x64xi32, #tpu.memory_space<vmem>> -> memref<1x1x64xi32, #tpu.memory_space<vmem>>
      %dma_start3A_349 = tpu.memref_squeeze %dma_start3A_348 : memref<1x1x64xi32, #tpu.memory_space<vmem>> -> memref<64xi32, #tpu.memory_space<vmem>>
      %dma_start3A_350 = arith.constant 0 : i32
      %dma_start3A_351 = arith.constant 0 : i32
      %dma_start3A_352 = tpu.memref_slice %arg13[%dma_start3A_350, %dma_start3A_351] : memref<10240x128xf32, #tpu.memory_space<vmem_shared>> -> memref<10240x128xf32, #tpu.memory_space<vmem_shared>>
      %dma_start3A_353 = tpu.memref_slice %arg18[%select_n3A_257] : memref<5x!tpu.dma_semaphore, #tpu.memory_space<semaphore_mem>> -> memref<1x!tpu.dma_semaphore, #tpu.memory_space<semaphore_mem>>
      %dma_start3A_354 = tpu.memref_squeeze %dma_start3A_353 : memref<1x!tpu.dma_semaphore, #tpu.memory_space<semaphore_mem>> -> memref<!tpu.dma_semaphore, #tpu.memory_space<semaphore_mem>>
      tpu.enqueue_indirect_dma source(%dma_start3A_346 : memref<64x128xf32, #tpu.memory_space<vmem>>) target(%dma_start3A_352 : memref<10240x128xf32, #tpu.memory_space<vmem_shared>>) offsets(%dma_start3A_349 : memref<64xi32, #tpu.memory_space<vmem>>) semaphore(%dma_start3A_354 : memref<!tpu.dma_semaphore, #tpu.memory_space<semaphore_mem>>) {add = true}
      %ge3A = arith.constant 1 : i32
      %ge3A_355 = arith.cmpi sge, %scan3A_248, %ge3A : i32
      %convert_element_type3A = arith.extui %ge3A_355 : i1 to i32
      %cond3A = arith.constant 0 : i32
      %cond3A_356 = arith.cmpi ne, %convert_element_type3A, %cond3A : i32
      scf.if %cond3A_356 {
        %add3A_527 = arith.constant 4 : i32
        %add3A_528 = arith.addi %scan3A_248, %add3A_527 : i32
        %jit3A_529 = arith.constant 5 : i32
        %eq3A_530 = arith.constant 0 : i32
        %eq3A_531 = arith.cmpi eq, %jit3A_529, %eq3A_530 : i32
        %jit3A_532 = arith.constant 1 : i32
        %select_n3A_533 = arith.select %eq3A_531, %jit3A_532, %jit3A_529 : i32
        %rem3A_534 = arith.remsi %add3A_528, %select_n3A_533 : i32
        %ne3A_535 = arith.constant 0 : i32
        %ne3A_536 = arith.cmpi ne, %rem3A_534, %ne3A_535 : i32
        %lt3A_537 = arith.constant 0 : i32
        %lt3A_538 = arith.cmpi slt, %rem3A_534, %lt3A_537 : i32
        %lt3A_539 = arith.constant 0 : i32
        %lt3A_540 = arith.cmpi slt, %select_n3A_533, %lt3A_539 : i32
        %ne3A_541 = arith.xori %lt3A_538, %lt3A_540 : i1
        %and3A_542 = arith.andi %ne3A_541, %ne3A_536 : i1
        %add3A_543 = arith.addi %rem3A_534, %select_n3A_533 : i32
        %select_n3A_544 = arith.select %and3A_542, %add3A_543, %rem3A_534 : i32
        %dma_wait3A_545 = arith.constant 0 : i32
        %dma_wait3A_546 = arith.constant 0 : i32
        %dma_wait3A_547 = tpu.memref_slice %arg11[%select_n3A_544, %dma_wait3A_545, %dma_wait3A_546] : memref<5x64x128xf32, #tpu.memory_space<vmem>> -> memref<1x64x128xf32, #tpu.memory_space<vmem>>
        %dma_wait3A_548 = tpu.memref_squeeze %dma_wait3A_547 : memref<1x64x128xf32, #tpu.memory_space<vmem>> -> memref<64x128xf32, #tpu.memory_space<vmem>>
        %dma_wait3A_549 = arith.constant 0 : i32
        %dma_wait3A_550 = arith.constant 0 : i32
        %dma_wait3A_551 = tpu.memref_slice %arg4[%dma_wait3A_549, %dma_wait3A_550] : memref<10240x128xf32, #tpu.memory_space<hbm>> -> memref<64x128xf32, #tpu.memory_space<hbm>>
        %dma_wait3A_552 = tpu.memref_slice %arg18[%select_n3A_544] : memref<5x!tpu.dma_semaphore, #tpu.memory_space<semaphore_mem>> -> memref<1x!tpu.dma_semaphore, #tpu.memory_space<semaphore_mem>>
        %dma_wait3A_553 = tpu.memref_squeeze %dma_wait3A_552 : memref<1x!tpu.dma_semaphore, #tpu.memory_space<semaphore_mem>> -> memref<!tpu.dma_semaphore, #tpu.memory_space<semaphore_mem>>
        %dma_wait3A_554 = arith.constant 0 : i32
        %dma_wait3A_555 = arith.constant 0 : i32
        %dma_wait3A_556 = tpu.memref_slice %arg11[%select_n3A_544, %dma_wait3A_554, %dma_wait3A_555] : memref<5x64x128xf32, #tpu.memory_space<vmem>> -> memref<1x64x128xf32, #tpu.memory_space<vmem>>
        %dma_wait3A_557 = tpu.memref_squeeze %dma_wait3A_556 : memref<1x64x128xf32, #tpu.memory_space<vmem>> -> memref<64x128xf32, #tpu.memory_space<vmem>>
        %dma_wait3A_558 = arith.constant 0 : i32
        %dma_wait3A_559 = arith.constant 0 : i32
        %dma_wait3A_560 = tpu.memref_slice %arg4[%dma_wait3A_558, %dma_wait3A_559] : memref<10240x128xf32, #tpu.memory_space<hbm>> -> memref<64x128xf32, #tpu.memory_space<hbm>>
        tpu.wait_dma2 semaphore(%dma_wait3A_553 : memref<!tpu.dma_semaphore, #tpu.memory_space<semaphore_mem>>) src(%dma_wait3A_560 : memref<64x128xf32, #tpu.memory_space<hbm>>) dst(%dma_wait3A_557 : memref<64x128xf32, #tpu.memory_space<vmem>>)
      } else {
      }
      %add3A_357 = arith.constant 4 : i32
      %add3A_358 = arith.addi %scan3A_248, %add3A_357 : i32
      %jit3A_359 = arith.constant 8 : i32
      %div3A_360 = arith.divsi %add3A_358, %jit3A_359 : i32
      %sign3A_361 = arith.constant 0 : i32
      %sign3A_362 = arith.cmpi sgt, %add3A_358, %sign3A_361 : i32
      %sign3A_363 = arith.extui %sign3A_362 : i1 to i32
      %sign3A_364 = arith.constant 0 : i32
      %sign3A_365 = arith.cmpi slt, %add3A_358, %sign3A_364 : i32
      %sign3A_366 = arith.extui %sign3A_365 : i1 to i32
      %sign3A_367 = arith.subi %sign3A_363, %sign3A_366 : i32
      %sign3A_368 = arith.constant 0 : i32
      %sign3A_369 = arith.cmpi sgt, %jit3A_359, %sign3A_368 : i32
      %sign3A_370 = arith.extui %sign3A_369 : i1 to i32
      %sign3A_371 = arith.constant 0 : i32
      %sign3A_372 = arith.cmpi slt, %jit3A_359, %sign3A_371 : i32
      %sign3A_373 = arith.extui %sign3A_372 : i1 to i32
      %sign3A_374 = arith.subi %sign3A_370, %sign3A_373 : i32
      %ne3A_375 = arith.cmpi ne, %sign3A_367, %sign3A_374 : i32
      %rem3A_376 = arith.remsi %add3A_358, %jit3A_359 : i32
      %ne3A_377 = arith.constant 0 : i32
      %ne3A_378 = arith.cmpi ne, %rem3A_376, %ne3A_377 : i32
      %and3A_379 = arith.andi %ne3A_375, %ne3A_378 : i1
      %sub3A_380 = arith.constant 1 : i32
      %sub3A_381 = arith.subi %div3A_360, %sub3A_380 : i32
      %select_n3A_382 = arith.select %and3A_379, %sub3A_381, %div3A_360 : i32
      %add3A_383 = arith.constant 4 : i32
      %add3A_384 = arith.addi %scan3A_248, %add3A_383 : i32
      %jit3A_385 = arith.constant 8 : i32
      %eq3A_386 = arith.constant 0 : i32
      %eq3A_387 = arith.cmpi eq, %jit3A_385, %eq3A_386 : i32
      %jit3A_388 = arith.constant 1 : i32
      %select_n3A_389 = arith.select %eq3A_387, %jit3A_388, %jit3A_385 : i32
      %rem3A_390 = arith.remsi %add3A_384, %select_n3A_389 : i32
      %ne3A_391 = arith.constant 0 : i32
      %ne3A_392 = arith.cmpi ne, %rem3A_390, %ne3A_391 : i32
      %lt3A_393 = arith.constant 0 : i32
      %lt3A_394 = arith.cmpi slt, %rem3A_390, %lt3A_393 : i32
      %lt3A_395 = arith.constant 0 : i32
      %lt3A_396 = arith.cmpi slt, %select_n3A_389, %lt3A_395 : i32
      %ne3A_397 = arith.xori %lt3A_394, %lt3A_396 : i1
      %and3A_398 = arith.andi %ne3A_397, %ne3A_392 : i1
      %add3A_399 = arith.addi %rem3A_390, %select_n3A_389 : i32
      %select_n3A_400 = arith.select %and3A_398, %add3A_399, %rem3A_390 : i32
      %eq3A_401 = arith.constant 0 : i32
      %eq3A_402 = arith.cmpi eq, %select_n3A_400, %eq3A_401 : i32
      %le3A = arith.constant 19 : i32
      %le3A_403 = arith.cmpi sle, %select_n3A_382, %le3A : i32
      %and3A_404 = arith.andi %eq3A_402, %le3A_403 : i1
      %convert_element_type3A_405 = arith.extui %and3A_404 : i1 to i32
      %cond3A_406 = arith.constant 0 : i32
      %cond3A_407 = arith.cmpi ne, %convert_element_type3A_405, %cond3A_406 : i32
      scf.if %cond3A_407 {
        %jit3A_527 = arith.constant 3 : i32
        %eq3A_528 = arith.constant 0 : i32
        %eq3A_529 = arith.cmpi eq, %jit3A_527, %eq3A_528 : i32
        %jit3A_530 = arith.constant 1 : i32
        %select_n3A_531 = arith.select %eq3A_529, %jit3A_530, %jit3A_527 : i32
        %rem3A_532 = arith.remsi %select_n3A_382, %select_n3A_531 : i32
        %ne3A_533 = arith.constant 0 : i32
        %ne3A_534 = arith.cmpi ne, %rem3A_532, %ne3A_533 : i32
        %lt3A_535 = arith.constant 0 : i32
        %lt3A_536 = arith.cmpi slt, %rem3A_532, %lt3A_535 : i32
        %lt3A_537 = arith.constant 0 : i32
        %lt3A_538 = arith.cmpi slt, %select_n3A_531, %lt3A_537 : i32
        %ne3A_539 = arith.xori %lt3A_536, %lt3A_538 : i1
        %and3A_540 = arith.andi %ne3A_539, %ne3A_534 : i1
        %add3A_541 = arith.addi %rem3A_532, %select_n3A_531 : i32
        %select_n3A_542 = arith.select %and3A_540, %add3A_541, %rem3A_532 : i32
        %dma_wait3A_543 = arith.constant 0 : i32
        %dma_wait3A_544 = arith.constant 0 : i32
        %dma_wait3A_545 = tpu.memref_slice %arg9[%select_n3A_542, %dma_wait3A_543, %dma_wait3A_544] : memref<3x8x64xi32, #tpu.memory_space<vmem>> -> memref<1x8x64xi32, #tpu.memory_space<vmem>>
        %dma_wait3A_546 = tpu.memref_squeeze %dma_wait3A_545 : memref<1x8x64xi32, #tpu.memory_space<vmem>> -> memref<8x64xi32, #tpu.memory_space<vmem>>
        %dma_wait3A_547 = arith.constant 0 : i32
        %dma_wait3A_548 = arith.constant 0 : i32
        %dma_wait3A_549 = tpu.memref_slice %arg2[%dma_wait3A_547, %dma_wait3A_548] : memref<5120x64xi32, #tpu.memory_space<hbm>> -> memref<8x64xi32, #tpu.memory_space<hbm>>
        %dma_wait3A_550 = tpu.memref_slice %arg16[%select_n3A_542] : memref<3x!tpu.dma_semaphore, #tpu.memory_space<semaphore_mem>> -> memref<1x!tpu.dma_semaphore, #tpu.memory_space<semaphore_mem>>
        %dma_wait3A_551 = tpu.memref_squeeze %dma_wait3A_550 : memref<1x!tpu.dma_semaphore, #tpu.memory_space<semaphore_mem>> -> memref<!tpu.dma_semaphore, #tpu.memory_space<semaphore_mem>>
        %dma_wait3A_552 = arith.constant 0 : i32
        %dma_wait3A_553 = arith.constant 0 : i32
        %dma_wait3A_554 = tpu.memref_slice %arg9[%select_n3A_542, %dma_wait3A_552, %dma_wait3A_553] : memref<3x8x64xi32, #tpu.memory_space<vmem>> -> memref<1x8x64xi32, #tpu.memory_space<vmem>>
        %dma_wait3A_555 = tpu.memref_squeeze %dma_wait3A_554 : memref<1x8x64xi32, #tpu.memory_space<vmem>> -> memref<8x64xi32, #tpu.memory_space<vmem>>
        %dma_wait3A_556 = arith.constant 0 : i32
        %dma_wait3A_557 = arith.constant 0 : i32
        %dma_wait3A_558 = tpu.memref_slice %arg2[%dma_wait3A_556, %dma_wait3A_557] : memref<5120x64xi32, #tpu.memory_space<hbm>> -> memref<8x64xi32, #tpu.memory_space<hbm>>
        tpu.wait_dma2 semaphore(%dma_wait3A_551 : memref<!tpu.dma_semaphore, #tpu.memory_space<semaphore_mem>>) src(%dma_wait3A_558 : memref<8x64xi32, #tpu.memory_space<hbm>>) dst(%dma_wait3A_555 : memref<8x64xi32, #tpu.memory_space<vmem>>)
        %dma_wait3A_559 = arith.constant 0 : i32
        %dma_wait3A_560 = arith.constant 0 : i32
        %dma_wait3A_561 = tpu.memref_slice %arg10[%select_n3A_542, %dma_wait3A_559, %dma_wait3A_560] : memref<3x8x64xi32, #tpu.memory_space<vmem>> -> memref<1x8x64xi32, #tpu.memory_space<vmem>>
        %dma_wait3A_562 = tpu.memref_squeeze %dma_wait3A_561 : memref<1x8x64xi32, #tpu.memory_space<vmem>> -> memref<8x64xi32, #tpu.memory_space<vmem>>
        %dma_wait3A_563 = arith.constant 0 : i32
        %dma_wait3A_564 = arith.constant 0 : i32
        %dma_wait3A_565 = tpu.memref_slice %arg2[%dma_wait3A_563, %dma_wait3A_564] : memref<5120x64xi32, #tpu.memory_space<hbm>> -> memref<8x64xi32, #tpu.memory_space<hbm>>
        %dma_wait3A_566 = tpu.memref_slice %arg16[%select_n3A_542] : memref<3x!tpu.dma_semaphore, #tpu.memory_space<semaphore_mem>> -> memref<1x!tpu.dma_semaphore, #tpu.memory_space<semaphore_mem>>
        %dma_wait3A_567 = tpu.memref_squeeze %dma_wait3A_566 : memref<1x!tpu.dma_semaphore, #tpu.memory_space<semaphore_mem>> -> memref<!tpu.dma_semaphore, #tpu.memory_space<semaphore_mem>>
        %dma_wait3A_568 = arith.constant 0 : i32
        %dma_wait3A_569 = arith.constant 0 : i32
        %dma_wait3A_570 = tpu.memref_slice %arg10[%select_n3A_542, %dma_wait3A_568, %dma_wait3A_569] : memref<3x8x64xi32, #tpu.memory_space<vmem>> -> memref<1x8x64xi32, #tpu.memory_space<vmem>>
        %dma_wait3A_571 = tpu.memref_squeeze %dma_wait3A_570 : memref<1x8x64xi32, #tpu.memory_space<vmem>> -> memref<8x64xi32, #tpu.memory_space<vmem>>
        %dma_wait3A_572 = arith.constant 0 : i32
        %dma_wait3A_573 = arith.constant 0 : i32
        %dma_wait3A_574 = tpu.memref_slice %arg2[%dma_wait3A_572, %dma_wait3A_573] : memref<5120x64xi32, #tpu.memory_space<hbm>> -> memref<8x64xi32, #tpu.memory_space<hbm>>
        tpu.wait_dma2 semaphore(%dma_wait3A_567 : memref<!tpu.dma_semaphore, #tpu.memory_space<semaphore_mem>>) src(%dma_wait3A_574 : memref<8x64xi32, #tpu.memory_space<hbm>>) dst(%dma_wait3A_571 : memref<8x64xi32, #tpu.memory_space<vmem>>)
      } else {
      }
      %add3A_408 = arith.constant 4 : i32
      %add3A_409 = arith.addi %scan3A_248, %add3A_408 : i32
      %jit3A_410 = arith.constant 8 : i32
      %eq3A_411 = arith.constant 0 : i32
      %eq3A_412 = arith.cmpi eq, %jit3A_410, %eq3A_411 : i32
      %jit3A_413 = arith.constant 1 : i32
      %select_n3A_414 = arith.select %eq3A_412, %jit3A_413, %jit3A_410 : i32
      %rem3A_415 = arith.remsi %add3A_409, %select_n3A_414 : i32
      %ne3A_416 = arith.constant 0 : i32
      %ne3A_417 = arith.cmpi ne, %rem3A_415, %ne3A_416 : i32
      %lt3A_418 = arith.constant 0 : i32
      %lt3A_419 = arith.cmpi slt, %rem3A_415, %lt3A_418 : i32
      %lt3A_420 = arith.constant 0 : i32
      %lt3A_421 = arith.cmpi slt, %select_n3A_414, %lt3A_420 : i32
      %ne3A_422 = arith.xori %lt3A_419, %lt3A_421 : i1
      %and3A_423 = arith.andi %ne3A_422, %ne3A_417 : i1
      %add3A_424 = arith.addi %rem3A_415, %select_n3A_414 : i32
      %select_n3A_425 = arith.select %and3A_423, %add3A_424, %rem3A_415 : i32
      %eq3A_426 = arith.constant 0 : i32
      %eq3A_427 = arith.cmpi eq, %select_n3A_425, %eq3A_426 : i32
      %le3A_428 = arith.constant 18 : i32
      %le3A_429 = arith.cmpi sle, %select_n3A_382, %le3A_428 : i32
      %and3A_430 = arith.andi %eq3A_427, %le3A_429 : i1
      %convert_element_type3A_431 = arith.extui %and3A_430 : i1 to i32
      %cond3A_432 = arith.constant 0 : i32
      %cond3A_433 = arith.cmpi ne, %convert_element_type3A_431, %cond3A_432 : i32
      scf.if %cond3A_433 {
        %add3A_527 = arith.constant 1 : i32
        %add3A_528 = arith.addi %select_n3A_382, %add3A_527 : i32
        %jit3A_529 = arith.constant 3 : i32
        %eq3A_530 = arith.constant 0 : i32
        %eq3A_531 = arith.cmpi eq, %jit3A_529, %eq3A_530 : i32
        %jit3A_532 = arith.constant 1 : i32
        %select_n3A_533 = arith.select %eq3A_531, %jit3A_532, %jit3A_529 : i32
        %rem3A_534 = arith.remsi %add3A_528, %select_n3A_533 : i32
        %ne3A_535 = arith.constant 0 : i32
        %ne3A_536 = arith.cmpi ne, %rem3A_534, %ne3A_535 : i32
        %lt3A_537 = arith.constant 0 : i32
        %lt3A_538 = arith.cmpi slt, %rem3A_534, %lt3A_537 : i32
        %lt3A_539 = arith.constant 0 : i32
        %lt3A_540 = arith.cmpi slt, %select_n3A_533, %lt3A_539 : i32
        %ne3A_541 = arith.xori %lt3A_538, %lt3A_540 : i1
        %and3A_542 = arith.andi %ne3A_541, %ne3A_536 : i1
        %add3A_543 = arith.addi %rem3A_534, %select_n3A_533 : i32
        %select_n3A_544 = arith.select %and3A_542, %add3A_543, %rem3A_534 : i32
        %mul3A_545 = arith.constant 8 : i32
        %mul3A_546 = arith.muli %add3A_528, %mul3A_545 : i32
        %add3A_547 = arith.addi %mul3A_17, %mul3A_546 : i32
        %dma_start3A_548 = arith.constant 0 : i32
        %dma_start3A_549 = arith.constant 0 : i32
        %dma_start3A_550 = tpu.memref_slice %arg9[%select_n3A_544, %dma_start3A_548, %dma_start3A_549] : memref<3x8x64xi32, #tpu.memory_space<vmem>> -> memref<1x8x64xi32, #tpu.memory_space<vmem>>
        %dma_start3A_551 = tpu.memref_squeeze %dma_start3A_550 : memref<1x8x64xi32, #tpu.memory_space<vmem>> -> memref<8x64xi32, #tpu.memory_space<vmem>>
        %dma_start3A_552 = arith.constant 0 : i32
        %dma_start3A_553 = tpu.memref_slice %arg2[%add3A_547, %dma_start3A_552] : memref<5120x64xi32, #tpu.memory_space<hbm>> -> memref<8x64xi32, #tpu.memory_space<hbm>>
        %dma_start3A_554 = tpu.memref_slice %arg16[%select_n3A_544] : memref<3x!tpu.dma_semaphore, #tpu.memory_space<semaphore_mem>> -> memref<1x!tpu.dma_semaphore, #tpu.memory_space<semaphore_mem>>
        %dma_start3A_555 = tpu.memref_squeeze %dma_start3A_554 : memref<1x!tpu.dma_semaphore, #tpu.memory_space<semaphore_mem>> -> memref<!tpu.dma_semaphore, #tpu.memory_space<semaphore_mem>>
        %dma_start3A_556 = arith.constant 0 : i32
        %dma_start3A_557 = arith.constant 0 : i32
        %dma_start3A_558 = tpu.memref_slice %arg9[%select_n3A_544, %dma_start3A_556, %dma_start3A_557] : memref<3x8x64xi32, #tpu.memory_space<vmem>> -> memref<1x8x64xi32, #tpu.memory_space<vmem>>
        %dma_start3A_559 = tpu.memref_squeeze %dma_start3A_558 : memref<1x8x64xi32, #tpu.memory_space<vmem>> -> memref<8x64xi32, #tpu.memory_space<vmem>>
        %dma_start3A_560 = arith.constant 0 : i32
        %dma_start3A_561 = tpu.memref_slice %arg2[%add3A_547, %dma_start3A_560] : memref<5120x64xi32, #tpu.memory_space<hbm>> -> memref<8x64xi32, #tpu.memory_space<hbm>>
        tpu.enqueue_dma source(%dma_start3A_561 : memref<8x64xi32, #tpu.memory_space<hbm>>) target(%dma_start3A_559 : memref<8x64xi32, #tpu.memory_space<vmem>>) target_semaphore(%dma_start3A_555 : memref<!tpu.dma_semaphore, #tpu.memory_space<semaphore_mem>>)
        %mul3A_562 = arith.constant 8 : i32
        %mul3A_563 = arith.muli %add3A_528, %mul3A_562 : i32
        %add3A_564 = arith.addi %mul3A_17, %mul3A_563 : i32
        %dma_start3A_565 = arith.constant 0 : i32
        %dma_start3A_566 = arith.constant 0 : i32
        %dma_start3A_567 = tpu.memref_slice %arg10[%select_n3A_544, %dma_start3A_565, %dma_start3A_566] : memref<3x8x64xi32, #tpu.memory_space<vmem>> -> memref<1x8x64xi32, #tpu.memory_space<vmem>>
        %dma_start3A_568 = tpu.memref_squeeze %dma_start3A_567 : memref<1x8x64xi32, #tpu.memory_space<vmem>> -> memref<8x64xi32, #tpu.memory_space<vmem>>
        %dma_start3A_569 = arith.constant 0 : i32
        %dma_start3A_570 = tpu.memref_slice %arg3[%add3A_564, %dma_start3A_569] : memref<5120x64xi32, #tpu.memory_space<hbm>> -> memref<8x64xi32, #tpu.memory_space<hbm>>
        %dma_start3A_571 = tpu.memref_slice %arg16[%select_n3A_544] : memref<3x!tpu.dma_semaphore, #tpu.memory_space<semaphore_mem>> -> memref<1x!tpu.dma_semaphore, #tpu.memory_space<semaphore_mem>>
        %dma_start3A_572 = tpu.memref_squeeze %dma_start3A_571 : memref<1x!tpu.dma_semaphore, #tpu.memory_space<semaphore_mem>> -> memref<!tpu.dma_semaphore, #tpu.memory_space<semaphore_mem>>
        %dma_start3A_573 = arith.constant 0 : i32
        %dma_start3A_574 = arith.constant 0 : i32
        %dma_start3A_575 = tpu.memref_slice %arg10[%select_n3A_544, %dma_start3A_573, %dma_start3A_574] : memref<3x8x64xi32, #tpu.memory_space<vmem>> -> memref<1x8x64xi32, #tpu.memory_space<vmem>>
        %dma_start3A_576 = tpu.memref_squeeze %dma_start3A_575 : memref<1x8x64xi32, #tpu.memory_space<vmem>> -> memref<8x64xi32, #tpu.memory_space<vmem>>
        %dma_start3A_577 = arith.constant 0 : i32
        %dma_start3A_578 = tpu.memref_slice %arg3[%add3A_564, %dma_start3A_577] : memref<5120x64xi32, #tpu.memory_space<hbm>> -> memref<8x64xi32, #tpu.memory_space<hbm>>
        tpu.enqueue_dma source(%dma_start3A_578 : memref<8x64xi32, #tpu.memory_space<hbm>>) target(%dma_start3A_576 : memref<8x64xi32, #tpu.memory_space<vmem>>) target_semaphore(%dma_start3A_572 : memref<!tpu.dma_semaphore, #tpu.memory_space<semaphore_mem>>)
      } else {
      }
      %le3A_434 = arith.constant 155 : i32
      %le3A_435 = arith.cmpi sle, %scan3A_248, %le3A_434 : i32
      %convert_element_type3A_436 = arith.extui %le3A_435 : i1 to i32
      %cond3A_437 = arith.constant 0 : i32
      %cond3A_438 = arith.cmpi ne, %convert_element_type3A_436, %cond3A_437 : i32
      scf.if %cond3A_438 {
        %add3A_527 = arith.constant 4 : i32
        %add3A_528 = arith.addi %scan3A_248, %add3A_527 : i32
        %add3A_529 = arith.constant 4 : i32
        %add3A_530 = arith.addi %scan3A_248, %add3A_529 : i32
        %jit3A_531 = arith.constant 5 : i32
        %eq3A_532 = arith.constant 0 : i32
        %eq3A_533 = arith.cmpi eq, %jit3A_531, %eq3A_532 : i32
        %jit3A_534 = arith.constant 1 : i32
        %select_n3A_535 = arith.select %eq3A_533, %jit3A_534, %jit3A_531 : i32
        %rem3A_536 = arith.remsi %add3A_530, %select_n3A_535 : i32
        %ne3A_537 = arith.constant 0 : i32
        %ne3A_538 = arith.cmpi ne, %rem3A_536, %ne3A_537 : i32
        %lt3A_539 = arith.constant 0 : i32
        %lt3A_540 = arith.cmpi slt, %rem3A_536, %lt3A_539 : i32
        %lt3A_541 = arith.constant 0 : i32
        %lt3A_542 = arith.cmpi slt, %select_n3A_535, %lt3A_541 : i32
        %ne3A_543 = arith.xori %lt3A_540, %lt3A_542 : i1
        %and3A_544 = arith.andi %ne3A_543, %ne3A_538 : i1
        %add3A_545 = arith.addi %rem3A_536, %select_n3A_535 : i32
        %select_n3A_546 = arith.select %and3A_544, %add3A_545, %rem3A_536 : i32
        %jit3A_547 = arith.constant 8 : i32
        %div3A_548 = arith.divsi %add3A_528, %jit3A_547 : i32
        %sign3A_549 = arith.constant 0 : i32
        %sign3A_550 = arith.cmpi sgt, %add3A_528, %sign3A_549 : i32
        %sign3A_551 = arith.extui %sign3A_550 : i1 to i32
        %sign3A_552 = arith.constant 0 : i32
        %sign3A_553 = arith.cmpi slt, %add3A_528, %sign3A_552 : i32
        %sign3A_554 = arith.extui %sign3A_553 : i1 to i32
        %sign3A_555 = arith.subi %sign3A_551, %sign3A_554 : i32
        %sign3A_556 = arith.constant 0 : i32
        %sign3A_557 = arith.cmpi sgt, %jit3A_547, %sign3A_556 : i32
        %sign3A_558 = arith.extui %sign3A_557 : i1 to i32
        %sign3A_559 = arith.constant 0 : i32
        %sign3A_560 = arith.cmpi slt, %jit3A_547, %sign3A_559 : i32
        %sign3A_561 = arith.extui %sign3A_560 : i1 to i32
        %sign3A_562 = arith.subi %sign3A_558, %sign3A_561 : i32
        %ne3A_563 = arith.cmpi ne, %sign3A_555, %sign3A_562 : i32
        %rem3A_564 = arith.remsi %add3A_528, %jit3A_547 : i32
        %ne3A_565 = arith.constant 0 : i32
        %ne3A_566 = arith.cmpi ne, %rem3A_564, %ne3A_565 : i32
        %and3A_567 = arith.andi %ne3A_563, %ne3A_566 : i1
        %sub3A_568 = arith.constant 1 : i32
        %sub3A_569 = arith.subi %div3A_548, %sub3A_568 : i32
        %select_n3A_570 = arith.select %and3A_567, %sub3A_569, %div3A_548 : i32
        %jit3A_571 = arith.constant 3 : i32
        %eq3A_572 = arith.constant 0 : i32
        %eq3A_573 = arith.cmpi eq, %jit3A_571, %eq3A_572 : i32
        %jit3A_574 = arith.constant 1 : i32
        %select_n3A_575 = arith.select %eq3A_573, %jit3A_574, %jit3A_571 : i32
        %rem3A_576 = arith.remsi %select_n3A_570, %select_n3A_575 : i32
        %ne3A_577 = arith.constant 0 : i32
        %ne3A_578 = arith.cmpi ne, %rem3A_576, %ne3A_577 : i32
        %lt3A_579 = arith.constant 0 : i32
        %lt3A_580 = arith.cmpi slt, %rem3A_576, %lt3A_579 : i32
        %lt3A_581 = arith.constant 0 : i32
        %lt3A_582 = arith.cmpi slt, %select_n3A_575, %lt3A_581 : i32
        %ne3A_583 = arith.xori %lt3A_580, %lt3A_582 : i1
        %and3A_584 = arith.andi %ne3A_583, %ne3A_578 : i1
        %add3A_585 = arith.addi %rem3A_576, %select_n3A_575 : i32
        %select_n3A_586 = arith.select %and3A_584, %add3A_585, %rem3A_576 : i32
        %jit3A_587 = arith.constant 8 : i32
        %eq3A_588 = arith.constant 0 : i32
        %eq3A_589 = arith.cmpi eq, %jit3A_587, %eq3A_588 : i32
        %jit3A_590 = arith.constant 1 : i32
        %select_n3A_591 = arith.select %eq3A_589, %jit3A_590, %jit3A_587 : i32
        %rem3A_592 = arith.remsi %add3A_528, %select_n3A_591 : i32
        %ne3A_593 = arith.constant 0 : i32
        %ne3A_594 = arith.cmpi ne, %rem3A_592, %ne3A_593 : i32
        %lt3A_595 = arith.constant 0 : i32
        %lt3A_596 = arith.cmpi slt, %rem3A_592, %lt3A_595 : i32
        %lt3A_597 = arith.constant 0 : i32
        %lt3A_598 = arith.cmpi slt, %select_n3A_591, %lt3A_597 : i32
        %ne3A_599 = arith.xori %lt3A_596, %lt3A_598 : i1
        %and3A_600 = arith.andi %ne3A_599, %ne3A_594 : i1
        %add3A_601 = arith.addi %rem3A_592, %select_n3A_591 : i32
        %select_n3A_602 = arith.select %and3A_600, %add3A_601, %rem3A_592 : i32
        %dma_start3A_603 = arith.constant 0 : i32
        %dma_start3A_604 = arith.constant 0 : i32
        %dma_start3A_605 = tpu.memref_slice %arg11[%select_n3A_546, %dma_start3A_603, %dma_start3A_604] : memref<5x64x128xf32, #tpu.memory_space<vmem>> -> memref<1x64x128xf32, #tpu.memory_space<vmem>>
        %dma_start3A_606 = tpu.memref_squeeze %dma_start3A_605 : memref<1x64x128xf32, #tpu.memory_space<vmem>> -> memref<64x128xf32, #tpu.memory_space<vmem>>
        %dma_start3A_607 = arith.constant 0 : i32
        %dma_start3A_608 = tpu.memref_slice %arg9[%select_n3A_586, %select_n3A_602, %dma_start3A_607] : memref<3x8x64xi32, #tpu.memory_space<vmem>> -> memref<1x1x64xi32, #tpu.memory_space<vmem>>
        %dma_start3A_609 = tpu.memref_squeeze %dma_start3A_608 : memref<1x1x64xi32, #tpu.memory_space<vmem>> -> memref<64xi32, #tpu.memory_space<vmem>>
        %dma_start3A_610 = arith.constant 0 : i32
        %dma_start3A_611 = arith.constant 0 : i32
        %dma_start3A_612 = tpu.memref_slice %arg4[%dma_start3A_610, %dma_start3A_611] : memref<10240x128xf32, #tpu.memory_space<hbm>> -> memref<10240x128xf32, #tpu.memory_space<hbm>>
        %dma_start3A_613 = tpu.memref_slice %arg17[%select_n3A_546] : memref<5x!tpu.dma_semaphore, #tpu.memory_space<semaphore_mem>> -> memref<1x!tpu.dma_semaphore, #tpu.memory_space<semaphore_mem>>
        %dma_start3A_614 = tpu.memref_squeeze %dma_start3A_613 : memref<1x!tpu.dma_semaphore, #tpu.memory_space<semaphore_mem>> -> memref<!tpu.dma_semaphore, #tpu.memory_space<semaphore_mem>>
        tpu.enqueue_indirect_dma source(%dma_start3A_612 : memref<10240x128xf32, #tpu.memory_space<hbm>>) target(%dma_start3A_606 : memref<64x128xf32, #tpu.memory_space<vmem>>) offsets(%dma_start3A_609 : memref<64xi32, #tpu.memory_space<vmem>>) semaphore(%dma_start3A_614 : memref<!tpu.dma_semaphore, #tpu.memory_space<semaphore_mem>>)
      } else {
      }
      %dma_wait3A_439 = arith.constant 0 : i32
      %dma_wait3A_440 = tpu.memref_slice %arg12[%select_n3A_273, %dma_wait3A_439] : memref<2x64xf32, #tpu.memory_space<vmem>> -> memref<1x64xf32, #tpu.memory_space<vmem>>
      %dma_wait3A_441 = tpu.memref_squeeze %dma_wait3A_440 : memref<1x64xf32, #tpu.memory_space<vmem>> -> memref<64xf32, #tpu.memory_space<vmem>>
      %dma_wait3A_442 = arith.constant 0 : i32
      %dma_wait3A_443 = tpu.memref_slice %arg5[%dma_wait3A_442] : memref<10240xf32, #tpu.memory_space<hbm>> -> memref<64xf32, #tpu.memory_space<hbm>>
      %dma_wait3A_444 = tpu.memref_slice %arg19[%select_n3A_273] : memref<2x!tpu.dma_semaphore, #tpu.memory_space<semaphore_mem>> -> memref<1x!tpu.dma_semaphore, #tpu.memory_space<semaphore_mem>>
      %dma_wait3A_445 = tpu.memref_squeeze %dma_wait3A_444 : memref<1x!tpu.dma_semaphore, #tpu.memory_space<semaphore_mem>> -> memref<!tpu.dma_semaphore, #tpu.memory_space<semaphore_mem>>
      %dma_wait3A_446 = arith.constant 0 : i32
      %dma_wait3A_447 = tpu.memref_slice %arg12[%select_n3A_273, %dma_wait3A_446] : memref<2x64xf32, #tpu.memory_space<vmem>> -> memref<1x64xf32, #tpu.memory_space<vmem>>
      %dma_wait3A_448 = tpu.memref_squeeze %dma_wait3A_447 : memref<1x64xf32, #tpu.memory_space<vmem>> -> memref<64xf32, #tpu.memory_space<vmem>>
      %dma_wait3A_449 = arith.constant 0 : i32
      %dma_wait3A_450 = tpu.memref_slice %arg5[%dma_wait3A_449] : memref<10240xf32, #tpu.memory_space<hbm>> -> memref<64xf32, #tpu.memory_space<hbm>>
      tpu.wait_dma2 semaphore(%dma_wait3A_445 : memref<!tpu.dma_semaphore, #tpu.memory_space<semaphore_mem>>) src(%dma_wait3A_450 : memref<64xf32, #tpu.memory_space<hbm>>) dst(%dma_wait3A_448 : memref<64xf32, #tpu.memory_space<vmem>>)
      %jit3A_451 = arith.constant 8 : i32
      %div3A_452 = arith.divsi %scan3A_248, %jit3A_451 : i32
      %sign3A_453 = arith.constant 0 : i32
      %sign3A_454 = arith.cmpi sgt, %scan3A_248, %sign3A_453 : i32
      %sign3A_455 = arith.extui %sign3A_454 : i1 to i32
      %sign3A_456 = arith.constant 0 : i32
      %sign3A_457 = arith.cmpi slt, %scan3A_248, %sign3A_456 : i32
      %sign3A_458 = arith.extui %sign3A_457 : i1 to i32
      %sign3A_459 = arith.subi %sign3A_455, %sign3A_458 : i32
      %sign3A_460 = arith.constant 0 : i32
      %sign3A_461 = arith.cmpi sgt, %jit3A_451, %sign3A_460 : i32
      %sign3A_462 = arith.extui %sign3A_461 : i1 to i32
      %sign3A_463 = arith.constant 0 : i32
      %sign3A_464 = arith.cmpi slt, %jit3A_451, %sign3A_463 : i32
      %sign3A_465 = arith.extui %sign3A_464 : i1 to i32
      %sign3A_466 = arith.subi %sign3A_462, %sign3A_465 : i32
      %ne3A_467 = arith.cmpi ne, %sign3A_459, %sign3A_466 : i32
      %rem3A_468 = arith.remsi %scan3A_248, %jit3A_451 : i32
      %ne3A_469 = arith.constant 0 : i32
      %ne3A_470 = arith.cmpi ne, %rem3A_468, %ne3A_469 : i32
      %and3A_471 = arith.andi %ne3A_467, %ne3A_470 : i1
      %sub3A_472 = arith.constant 1 : i32
      %sub3A_473 = arith.subi %div3A_452, %sub3A_472 : i32
      %select_n3A_474 = arith.select %and3A_471, %sub3A_473, %div3A_452 : i32
      %jit3A_475 = arith.constant 3 : i32
      %eq3A_476 = arith.constant 0 : i32
      %eq3A_477 = arith.cmpi eq, %jit3A_475, %eq3A_476 : i32
      %jit3A_478 = arith.constant 1 : i32
      %select_n3A_479 = arith.select %eq3A_477, %jit3A_478, %jit3A_475 : i32
      %rem3A_480 = arith.remsi %select_n3A_474, %select_n3A_479 : i32
      %ne3A_481 = arith.constant 0 : i32
      %ne3A_482 = arith.cmpi ne, %rem3A_480, %ne3A_481 : i32
      %lt3A_483 = arith.constant 0 : i32
      %lt3A_484 = arith.cmpi slt, %rem3A_480, %lt3A_483 : i32
      %lt3A_485 = arith.constant 0 : i32
      %lt3A_486 = arith.cmpi slt, %select_n3A_479, %lt3A_485 : i32
      %ne3A_487 = arith.xori %lt3A_484, %lt3A_486 : i1
      %and3A_488 = arith.andi %ne3A_487, %ne3A_482 : i1
      %add3A_489 = arith.addi %rem3A_480, %select_n3A_479 : i32
      %select_n3A_490 = arith.select %and3A_488, %add3A_489, %rem3A_480 : i32
      %jit3A_491 = arith.constant 8 : i32
      %eq3A_492 = arith.constant 0 : i32
      %eq3A_493 = arith.cmpi eq, %jit3A_491, %eq3A_492 : i32
      %jit3A_494 = arith.constant 1 : i32
      %select_n3A_495 = arith.select %eq3A_493, %jit3A_494, %jit3A_491 : i32
      %rem3A_496 = arith.remsi %scan3A_248, %select_n3A_495 : i32
      %ne3A_497 = arith.constant 0 : i32
      %ne3A_498 = arith.cmpi ne, %rem3A_496, %ne3A_497 : i32
      %lt3A_499 = arith.constant 0 : i32
      %lt3A_500 = arith.cmpi slt, %rem3A_496, %lt3A_499 : i32
      %lt3A_501 = arith.constant 0 : i32
      %lt3A_502 = arith.cmpi slt, %select_n3A_495, %lt3A_501 : i32
      %ne3A_503 = arith.xori %lt3A_500, %lt3A_502 : i1
      %and3A_504 = arith.andi %ne3A_503, %ne3A_498 : i1
      %add3A_505 = arith.addi %rem3A_496, %select_n3A_495 : i32
      %select_n3A_506 = arith.select %and3A_504, %add3A_505, %rem3A_496 : i32
      %dma_start3A_507 = arith.constant 0 : i32
      %dma_start3A_508 = tpu.memref_slice %arg12[%select_n3A_273, %dma_start3A_507] : memref<2x64xf32, #tpu.memory_space<vmem>> -> memref<1x64xf32, #tpu.memory_space<vmem>>
      %dma_start3A_509 = tpu.memref_squeeze %dma_start3A_508 : memref<1x64xf32, #tpu.memory_space<vmem>> -> memref<64xf32, #tpu.memory_space<vmem>>
      %dma_start3A_510 = arith.constant 0 : i32
      %dma_start3A_511 = tpu.memref_slice %arg9[%select_n3A_490, %select_n3A_506, %dma_start3A_510] : memref<3x8x64xi32, #tpu.memory_space<vmem>> -> memref<1x1x64xi32, #tpu.memory_space<vmem>>
      %dma_start3A_512 = tpu.memref_squeeze %dma_start3A_511 : memref<1x1x64xi32, #tpu.memory_space<vmem>> -> memref<64xi32, #tpu.memory_space<vmem>>
      %dma_start3A_513 = arith.constant 0 : i32
      %dma_start3A_514 = tpu.memref_slice %arg14[%dma_start3A_513] : memref<10240xf32, #tpu.memory_space<vmem_shared>> -> memref<10240xf32, #tpu.memory_space<vmem_shared>>
      %dma_start3A_515 = tpu.memref_slice %arg20[%select_n3A_273] : memref<2x!tpu.dma_semaphore, #tpu.memory_space<semaphore_mem>> -> memref<1x!tpu.dma_semaphore, #tpu.memory_space<semaphore_mem>>
      %dma_start3A_516 = tpu.memref_squeeze %dma_start3A_515 : memref<1x!tpu.dma_semaphore, #tpu.memory_space<semaphore_mem>> -> memref<!tpu.dma_semaphore, #tpu.memory_space<semaphore_mem>>
      tpu.enqueue_indirect_dma source(%dma_start3A_509 : memref<64xf32, #tpu.memory_space<vmem>>) target(%dma_start3A_514 : memref<10240xf32, #tpu.memory_space<vmem_shared>>) offsets(%dma_start3A_512 : memref<64xi32, #tpu.memory_space<vmem>>) semaphore(%dma_start3A_516 : memref<!tpu.dma_semaphore, #tpu.memory_space<semaphore_mem>>) {add = true}
      %ge3A_517 = arith.constant 1 : i32
      %ge3A_518 = arith.cmpi sge, %scan3A_248, %ge3A_517 : i32
      %convert_element_type3A_519 = arith.extui %ge3A_518 : i1 to i32
      %cond3A_520 = arith.constant 0 : i32
      %cond3A_521 = arith.cmpi ne, %convert_element_type3A_519, %cond3A_520 : i32
      scf.if %cond3A_521 {
        %add3A_527 = arith.constant 1 : i32
        %add3A_528 = arith.addi %scan3A_248, %add3A_527 : i32
        %jit3A_529 = arith.constant 2 : i32
        %eq3A_530 = arith.constant 0 : i32
        %eq3A_531 = arith.cmpi eq, %jit3A_529, %eq3A_530 : i32
        %jit3A_532 = arith.constant 1 : i32
        %select_n3A_533 = arith.select %eq3A_531, %jit3A_532, %jit3A_529 : i32
        %rem3A_534 = arith.remsi %add3A_528, %select_n3A_533 : i32
        %ne3A_535 = arith.constant 0 : i32
        %ne3A_536 = arith.cmpi ne, %rem3A_534, %ne3A_535 : i32
        %lt3A_537 = arith.constant 0 : i32
        %lt3A_538 = arith.cmpi slt, %rem3A_534, %lt3A_537 : i32
        %lt3A_539 = arith.constant 0 : i32
        %lt3A_540 = arith.cmpi slt, %select_n3A_533, %lt3A_539 : i32
        %ne3A_541 = arith.xori %lt3A_538, %lt3A_540 : i1
        %and3A_542 = arith.andi %ne3A_541, %ne3A_536 : i1
        %add3A_543 = arith.addi %rem3A_534, %select_n3A_533 : i32
        %select_n3A_544 = arith.select %and3A_542, %add3A_543, %rem3A_534 : i32
        %dma_wait3A_545 = arith.constant 0 : i32
        %dma_wait3A_546 = tpu.memref_slice %arg12[%select_n3A_544, %dma_wait3A_545] : memref<2x64xf32, #tpu.memory_space<vmem>> -> memref<1x64xf32, #tpu.memory_space<vmem>>
        %dma_wait3A_547 = tpu.memref_squeeze %dma_wait3A_546 : memref<1x64xf32, #tpu.memory_space<vmem>> -> memref<64xf32, #tpu.memory_space<vmem>>
        %dma_wait3A_548 = arith.constant 0 : i32
        %dma_wait3A_549 = tpu.memref_slice %arg5[%dma_wait3A_548] : memref<10240xf32, #tpu.memory_space<hbm>> -> memref<64xf32, #tpu.memory_space<hbm>>
        %dma_wait3A_550 = tpu.memref_slice %arg20[%select_n3A_544] : memref<2x!tpu.dma_semaphore, #tpu.memory_space<semaphore_mem>> -> memref<1x!tpu.dma_semaphore, #tpu.memory_space<semaphore_mem>>
        %dma_wait3A_551 = tpu.memref_squeeze %dma_wait3A_550 : memref<1x!tpu.dma_semaphore, #tpu.memory_space<semaphore_mem>> -> memref<!tpu.dma_semaphore, #tpu.memory_space<semaphore_mem>>
        %dma_wait3A_552 = arith.constant 0 : i32
        %dma_wait3A_553 = tpu.memref_slice %arg12[%select_n3A_544, %dma_wait3A_552] : memref<2x64xf32, #tpu.memory_space<vmem>> -> memref<1x64xf32, #tpu.memory_space<vmem>>
        %dma_wait3A_554 = tpu.memref_squeeze %dma_wait3A_553 : memref<1x64xf32, #tpu.memory_space<vmem>> -> memref<64xf32, #tpu.memory_space<vmem>>
        %dma_wait3A_555 = arith.constant 0 : i32
        %dma_wait3A_556 = tpu.memref_slice %arg5[%dma_wait3A_555] : memref<10240xf32, #tpu.memory_space<hbm>> -> memref<64xf32, #tpu.memory_space<hbm>>
        tpu.wait_dma2 semaphore(%dma_wait3A_551 : memref<!tpu.dma_semaphore, #tpu.memory_space<semaphore_mem>>) src(%dma_wait3A_556 : memref<64xf32, #tpu.memory_space<hbm>>) dst(%dma_wait3A_554 : memref<64xf32, #tpu.memory_space<vmem>>)
      } else {
      }
      %lt3A_522 = arith.constant 159 : i32
      %lt3A_523 = arith.cmpi slt, %scan3A_248, %lt3A_522 : i32
      %convert_element_type3A_524 = arith.extui %lt3A_523 : i1 to i32
      %cond3A_525 = arith.constant 0 : i32
      %cond3A_526 = arith.cmpi ne, %convert_element_type3A_524, %cond3A_525 : i32
      scf.if %cond3A_526 {
        %add3A_527 = arith.constant 1 : i32
        %add3A_528 = arith.addi %scan3A_248, %add3A_527 : i32
        %add3A_529 = arith.constant 1 : i32
        %add3A_530 = arith.addi %scan3A_248, %add3A_529 : i32
        %jit3A_531 = arith.constant 2 : i32
        %eq3A_532 = arith.constant 0 : i32
        %eq3A_533 = arith.cmpi eq, %jit3A_531, %eq3A_532 : i32
        %jit3A_534 = arith.constant 1 : i32
        %select_n3A_535 = arith.select %eq3A_533, %jit3A_534, %jit3A_531 : i32
        %rem3A_536 = arith.remsi %add3A_530, %select_n3A_535 : i32
        %ne3A_537 = arith.constant 0 : i32
        %ne3A_538 = arith.cmpi ne, %rem3A_536, %ne3A_537 : i32
        %lt3A_539 = arith.constant 0 : i32
        %lt3A_540 = arith.cmpi slt, %rem3A_536, %lt3A_539 : i32
        %lt3A_541 = arith.constant 0 : i32
        %lt3A_542 = arith.cmpi slt, %select_n3A_535, %lt3A_541 : i32
        %ne3A_543 = arith.xori %lt3A_540, %lt3A_542 : i1
        %and3A_544 = arith.andi %ne3A_543, %ne3A_538 : i1
        %add3A_545 = arith.addi %rem3A_536, %select_n3A_535 : i32
        %select_n3A_546 = arith.select %and3A_544, %add3A_545, %rem3A_536 : i32
        %jit3A_547 = arith.constant 8 : i32
        %div3A_548 = arith.divsi %add3A_528, %jit3A_547 : i32
        %sign3A_549 = arith.constant 0 : i32
        %sign3A_550 = arith.cmpi sgt, %add3A_528, %sign3A_549 : i32
        %sign3A_551 = arith.extui %sign3A_550 : i1 to i32
        %sign3A_552 = arith.constant 0 : i32
        %sign3A_553 = arith.cmpi slt, %add3A_528, %sign3A_552 : i32
        %sign3A_554 = arith.extui %sign3A_553 : i1 to i32
        %sign3A_555 = arith.subi %sign3A_551, %sign3A_554 : i32
        %sign3A_556 = arith.constant 0 : i32
        %sign3A_557 = arith.cmpi sgt, %jit3A_547, %sign3A_556 : i32
        %sign3A_558 = arith.extui %sign3A_557 : i1 to i32
        %sign3A_559 = arith.constant 0 : i32
        %sign3A_560 = arith.cmpi slt, %jit3A_547, %sign3A_559 : i32
        %sign3A_561 = arith.extui %sign3A_560 : i1 to i32
        %sign3A_562 = arith.subi %sign3A_558, %sign3A_561 : i32
        %ne3A_563 = arith.cmpi ne, %sign3A_555, %sign3A_562 : i32
        %rem3A_564 = arith.remsi %add3A_528, %jit3A_547 : i32
        %ne3A_565 = arith.constant 0 : i32
        %ne3A_566 = arith.cmpi ne, %rem3A_564, %ne3A_565 : i32
        %and3A_567 = arith.andi %ne3A_563, %ne3A_566 : i1
        %sub3A_568 = arith.constant 1 : i32
        %sub3A_569 = arith.subi %div3A_548, %sub3A_568 : i32
        %select_n3A_570 = arith.select %and3A_567, %sub3A_569, %div3A_548 : i32
        %jit3A_571 = arith.constant 3 : i32
        %eq3A_572 = arith.constant 0 : i32
        %eq3A_573 = arith.cmpi eq, %jit3A_571, %eq3A_572 : i32
        %jit3A_574 = arith.constant 1 : i32
        %select_n3A_575 = arith.select %eq3A_573, %jit3A_574, %jit3A_571 : i32
        %rem3A_576 = arith.remsi %select_n3A_570, %select_n3A_575 : i32
        %ne3A_577 = arith.constant 0 : i32
        %ne3A_578 = arith.cmpi ne, %rem3A_576, %ne3A_577 : i32
        %lt3A_579 = arith.constant 0 : i32
        %lt3A_580 = arith.cmpi slt, %rem3A_576, %lt3A_579 : i32
        %lt3A_581 = arith.constant 0 : i32
        %lt3A_582 = arith.cmpi slt, %select_n3A_575, %lt3A_581 : i32
        %ne3A_583 = arith.xori %lt3A_580, %lt3A_582 : i1
        %and3A_584 = arith.andi %ne3A_583, %ne3A_578 : i1
        %add3A_585 = arith.addi %rem3A_576, %select_n3A_575 : i32
        %select_n3A_586 = arith.select %and3A_584, %add3A_585, %rem3A_576 : i32
        %jit3A_587 = arith.constant 8 : i32
        %eq3A_588 = arith.constant 0 : i32
        %eq3A_589 = arith.cmpi eq, %jit3A_587, %eq3A_588 : i32
        %jit3A_590 = arith.constant 1 : i32
        %select_n3A_591 = arith.select %eq3A_589, %jit3A_590, %jit3A_587 : i32
        %rem3A_592 = arith.remsi %add3A_528, %select_n3A_591 : i32
        %ne3A_593 = arith.constant 0 : i32
        %ne3A_594 = arith.cmpi ne, %rem3A_592, %ne3A_593 : i32
        %lt3A_595 = arith.constant 0 : i32
        %lt3A_596 = arith.cmpi slt, %rem3A_592, %lt3A_595 : i32
        %lt3A_597 = arith.constant 0 : i32
        %lt3A_598 = arith.cmpi slt, %select_n3A_591, %lt3A_597 : i32
        %ne3A_599 = arith.xori %lt3A_596, %lt3A_598 : i1
        %and3A_600 = arith.andi %ne3A_599, %ne3A_594 : i1
        %add3A_601 = arith.addi %rem3A_592, %select_n3A_591 : i32
        %select_n3A_602 = arith.select %and3A_600, %add3A_601, %rem3A_592 : i32
        %dma_start3A_603 = arith.constant 0 : i32
        %dma_start3A_604 = tpu.memref_slice %arg12[%select_n3A_546, %dma_start3A_603] : memref<2x64xf32, #tpu.memory_space<vmem>> -> memref<1x64xf32, #tpu.memory_space<vmem>>
        %dma_start3A_605 = tpu.memref_squeeze %dma_start3A_604 : memref<1x64xf32, #tpu.memory_space<vmem>> -> memref<64xf32, #tpu.memory_space<vmem>>
        %dma_start3A_606 = arith.constant 0 : i32
        %dma_start3A_607 = tpu.memref_slice %arg10[%select_n3A_586, %select_n3A_602, %dma_start3A_606] : memref<3x8x64xi32, #tpu.memory_space<vmem>> -> memref<1x1x64xi32, #tpu.memory_space<vmem>>
        %dma_start3A_608 = tpu.memref_squeeze %dma_start3A_607 : memref<1x1x64xi32, #tpu.memory_space<vmem>> -> memref<64xi32, #tpu.memory_space<vmem>>
        %dma_start3A_609 = arith.constant 0 : i32
        %dma_start3A_610 = tpu.memref_slice %arg15[%dma_start3A_609] : memref<10240xf32, #tpu.memory_space<vmem_shared>> -> memref<10240xf32, #tpu.memory_space<vmem_shared>>
        %dma_start3A_611 = tpu.memref_slice %arg19[%select_n3A_546] : memref<2x!tpu.dma_semaphore, #tpu.memory_space<semaphore_mem>> -> memref<1x!tpu.dma_semaphore, #tpu.memory_space<semaphore_mem>>
        %dma_start3A_612 = tpu.memref_squeeze %dma_start3A_611 : memref<1x!tpu.dma_semaphore, #tpu.memory_space<semaphore_mem>> -> memref<!tpu.dma_semaphore, #tpu.memory_space<semaphore_mem>>
        tpu.enqueue_indirect_dma source(%dma_start3A_610 : memref<10240xf32, #tpu.memory_space<vmem_shared>>) target(%dma_start3A_605 : memref<64xf32, #tpu.memory_space<vmem>>) offsets(%dma_start3A_608 : memref<64xi32, #tpu.memory_space<vmem>>) semaphore(%dma_start3A_612 : memref<!tpu.dma_semaphore, #tpu.memory_space<semaphore_mem>>)
      } else {
      }
    }
    %scan3A_206 = arith.constant 160 : i32
    %dma_wait3A_207 = arith.constant 4 : i32
    %dma_wait3A_208 = arith.constant 4 : i32
    %dma_wait3A_209 = arith.constant 0 : i32
    %dma_wait3A_210 = arith.constant 0 : i32
    %dma_wait3A_211 = tpu.memref_slice %arg11[%dma_wait3A_207, %dma_wait3A_209, %dma_wait3A_210] : memref<5x64x128xf32, #tpu.memory_space<vmem>> -> memref<1x64x128xf32, #tpu.memory_space<vmem>>
    %dma_wait3A_212 = tpu.memref_squeeze %dma_wait3A_211 : memref<1x64x128xf32, #tpu.memory_space<vmem>> -> memref<64x128xf32, #tpu.memory_space<vmem>>
    %dma_wait3A_213 = arith.constant 0 : i32
    %dma_wait3A_214 = arith.constant 0 : i32
    %dma_wait3A_215 = tpu.memref_slice %arg4[%dma_wait3A_213, %dma_wait3A_214] : memref<10240x128xf32, #tpu.memory_space<hbm>> -> memref<64x128xf32, #tpu.memory_space<hbm>>
    %dma_wait3A_216 = tpu.memref_slice %arg18[%dma_wait3A_208] : memref<5x!tpu.dma_semaphore, #tpu.memory_space<semaphore_mem>> -> memref<1x!tpu.dma_semaphore, #tpu.memory_space<semaphore_mem>>
    %dma_wait3A_217 = tpu.memref_squeeze %dma_wait3A_216 : memref<1x!tpu.dma_semaphore, #tpu.memory_space<semaphore_mem>> -> memref<!tpu.dma_semaphore, #tpu.memory_space<semaphore_mem>>
    %dma_wait3A_218 = arith.constant 0 : i32
    %dma_wait3A_219 = arith.constant 0 : i32
    %dma_wait3A_220 = tpu.memref_slice %arg11[%dma_wait3A_207, %dma_wait3A_218, %dma_wait3A_219] : memref<5x64x128xf32, #tpu.memory_space<vmem>> -> memref<1x64x128xf32, #tpu.memory_space<vmem>>
    %dma_wait3A_221 = tpu.memref_squeeze %dma_wait3A_220 : memref<1x64x128xf32, #tpu.memory_space<vmem>> -> memref<64x128xf32, #tpu.memory_space<vmem>>
    %dma_wait3A_222 = arith.constant 0 : i32
    %dma_wait3A_223 = arith.constant 0 : i32
    %dma_wait3A_224 = tpu.memref_slice %arg4[%dma_wait3A_222, %dma_wait3A_223] : memref<10240x128xf32, #tpu.memory_space<hbm>> -> memref<64x128xf32, #tpu.memory_space<hbm>>
    tpu.wait_dma2 semaphore(%dma_wait3A_217 : memref<!tpu.dma_semaphore, #tpu.memory_space<semaphore_mem>>) src(%dma_wait3A_224 : memref<64x128xf32, #tpu.memory_space<hbm>>) dst(%dma_wait3A_221 : memref<64x128xf32, #tpu.memory_space<vmem>>)
    %dma_wait3A_225 = arith.constant 1 : i32
    %dma_wait3A_226 = arith.constant 1 : i32
    %dma_wait3A_227 = arith.constant 0 : i32
    %dma_wait3A_228 = tpu.memref_slice %arg12[%dma_wait3A_225, %dma_wait3A_227] : memref<2x64xf32, #tpu.memory_space<vmem>> -> memref<1x64xf32, #tpu.memory_space<vmem>>
    %dma_wait3A_229 = tpu.memref_squeeze %dma_wait3A_228 : memref<1x64xf32, #tpu.memory_space<vmem>> -> memref<64xf32, #tpu.memory_space<vmem>>
    %dma_wait3A_230 = arith.constant 0 : i32
    %dma_wait3A_231 = tpu.memref_slice %arg5[%dma_wait3A_230] : memref<10240xf32, #tpu.memory_space<hbm>> -> memref<64xf32, #tpu.memory_space<hbm>>
    %dma_wait3A_232 = tpu.memref_slice %arg20[%dma_wait3A_226] : memref<2x!tpu.dma_semaphore, #tpu.memory_space<semaphore_mem>> -> memref<1x!tpu.dma_semaphore, #tpu.memory_space<semaphore_mem>>
    %dma_wait3A_233 = tpu.memref_squeeze %dma_wait3A_232 : memref<1x!tpu.dma_semaphore, #tpu.memory_space<semaphore_mem>> -> memref<!tpu.dma_semaphore, #tpu.memory_space<semaphore_mem>>
    %dma_wait3A_234 = arith.constant 0 : i32
    %dma_wait3A_235 = tpu.memref_slice %arg12[%dma_wait3A_225, %dma_wait3A_234] : memref<2x64xf32, #tpu.memory_space<vmem>> -> memref<1x64xf32, #tpu.memory_space<vmem>>
    %dma_wait3A_236 = tpu.memref_squeeze %dma_wait3A_235 : memref<1x64xf32, #tpu.memory_space<vmem>> -> memref<64xf32, #tpu.memory_space<vmem>>
    %dma_wait3A_237 = arith.constant 0 : i32
    %dma_wait3A_238 = tpu.memref_slice %arg5[%dma_wait3A_237] : memref<10240xf32, #tpu.memory_space<hbm>> -> memref<64xf32, #tpu.memory_space<hbm>>
    tpu.wait_dma2 semaphore(%dma_wait3A_233 : memref<!tpu.dma_semaphore, #tpu.memory_space<semaphore_mem>>) src(%dma_wait3A_238 : memref<64xf32, #tpu.memory_space<hbm>>) dst(%dma_wait3A_236 : memref<64xf32, #tpu.memory_space<vmem>>)
    %barrier3A_239 = arith.constant 0 : index
    tpu.barrier barrier_id(%barrier3A_239)
    %mul3A_240 = arith.constant 640 : i32
    %mul3A_241 = arith.muli %arg1, %mul3A_240 : i32
    %mul3A_242 = arith.constant 640 : i32
    %mul3A_243 = arith.muli %arg1, %mul3A_242 : i32
    "tpu.region"() ({
      %run_scoped3A = tpu.sem_alloc : memref<!tpu.dma_semaphore, #tpu.memory_space<semaphore_mem>>
      %dma_start3A_248 = arith.constant 0 : i32
      %dma_start3A_249 = tpu.memref_slice %arg7[%arg0, %mul3A_243, %dma_start3A_248] : memref<2x10240x128xf32, #tpu.memory_space<hbm>> -> memref<1x640x128xf32, #tpu.memory_space<hbm>>
      %dma_start3A_250 = tpu.memref_squeeze %dma_start3A_249 : memref<1x640x128xf32, #tpu.memory_space<hbm>> -> memref<640x128xf32, #tpu.memory_space<hbm>>
      %dma_start3A_251 = arith.constant 0 : i32
      %dma_start3A_252 = tpu.memref_slice %arg13[%mul3A_241, %dma_start3A_251] : memref<10240x128xf32, #tpu.memory_space<vmem_shared>> -> memref<640x128xf32, #tpu.memory_space<vmem_shared>>
      tpu.enqueue_dma source(%dma_start3A_252 : memref<640x128xf32, #tpu.memory_space<vmem_shared>>) target(%dma_start3A_250 : memref<640x128xf32, #tpu.memory_space<hbm>>) target_semaphore(%run_scoped3A : memref<!tpu.dma_semaphore, #tpu.memory_space<semaphore_mem>>)
      %dma_wait3A_253 = arith.constant 0 : i32
      %dma_wait3A_254 = tpu.memref_slice %arg7[%arg0, %mul3A_243, %dma_wait3A_253] : memref<2x10240x128xf32, #tpu.memory_space<hbm>> -> memref<1x640x128xf32, #tpu.memory_space<hbm>>
      %dma_wait3A_255 = tpu.memref_squeeze %dma_wait3A_254 : memref<1x640x128xf32, #tpu.memory_space<hbm>> -> memref<640x128xf32, #tpu.memory_space<hbm>>
      %dma_wait3A_256 = arith.constant 0 : i32
      %dma_wait3A_257 = tpu.memref_slice %arg13[%mul3A_241, %dma_wait3A_256] : memref<10240x128xf32, #tpu.memory_space<vmem_shared>> -> memref<640x128xf32, #tpu.memory_space<vmem_shared>>
      tpu.wait_dma2 semaphore(%run_scoped3A : memref<!tpu.dma_semaphore, #tpu.memory_space<semaphore_mem>>) src(%dma_wait3A_257 : memref<640x128xf32, #tpu.memory_space<vmem_shared>>) dst(%dma_wait3A_255 : memref<640x128xf32, #tpu.memory_space<hbm>>)
      tpu.yield
    }) : () -> ()
    %mul3A_244 = arith.constant 640 : i32
    %mul3A_245 = arith.muli %arg1, %mul3A_244 : i32
    %mul3A_246 = arith.constant 640 : i32
    %mul3A_247 = arith.muli %arg1, %mul3A_246 : i32
    "tpu.region"() ({
      %run_scoped3A = tpu.sem_alloc : memref<!tpu.dma_semaphore, #tpu.memory_space<semaphore_mem>>
      %dma_start3A_248 = tpu.memref_slice %arg8[%arg0, %mul3A_247] : memref<2x10240xf32, #tpu.memory_space<hbm>> -> memref<1x640xf32, #tpu.memory_space<hbm>>
      %dma_start3A_249 = tpu.memref_squeeze %dma_start3A_248 : memref<1x640xf32, #tpu.memory_space<hbm>> -> memref<640xf32, #tpu.memory_space<hbm>>
      %dma_start3A_250 = tpu.memref_slice %arg14[%mul3A_245] : memref<10240xf32, #tpu.memory_space<vmem_shared>> -> memref<640xf32, #tpu.memory_space<vmem_shared>>
      tpu.enqueue_dma source(%dma_start3A_250 : memref<640xf32, #tpu.memory_space<vmem_shared>>) target(%dma_start3A_249 : memref<640xf32, #tpu.memory_space<hbm>>) target_semaphore(%run_scoped3A : memref<!tpu.dma_semaphore, #tpu.memory_space<semaphore_mem>>)
      %dma_wait3A_251 = tpu.memref_slice %arg8[%arg0, %mul3A_247] : memref<2x10240xf32, #tpu.memory_space<hbm>> -> memref<1x640xf32, #tpu.memory_space<hbm>>
      %dma_wait3A_252 = tpu.memref_squeeze %dma_wait3A_251 : memref<1x640xf32, #tpu.memory_space<hbm>> -> memref<640xf32, #tpu.memory_space<hbm>>
      %dma_wait3A_253 = tpu.memref_slice %arg14[%mul3A_245] : memref<10240xf32, #tpu.memory_space<vmem_shared>> -> memref<640xf32, #tpu.memory_space<vmem_shared>>
      tpu.wait_dma2 semaphore(%run_scoped3A : memref<!tpu.dma_semaphore, #tpu.memory_space<semaphore_mem>>) src(%dma_wait3A_253 : memref<640xf32, #tpu.memory_space<vmem_shared>>) dst(%dma_wait3A_252 : memref<640xf32, #tpu.memory_space<hbm>>)
      tpu.yield
    }) : () -> ()
    return
  }
}

#map = affine_map<(d0, d1) -> (0, 0)>
#map1 = affine_map<(d0, d1) -> (0)>
#map2 = affine_map<(d0, d1) -> (0, 0, 0)>
module attributes {stable_mosaic.version = 14 : i64} {
  func.func @_deg_body(%arg0: i32, %arg1: i32, %arg2: memref<2560x128xi32, #tpu.memory_space<hbm>>, %arg3: memref<2560x128xi32, #tpu.memory_space<hbm>>, %arg4: memref<128xf32, #tpu.memory_space<hbm>>, %arg5: memref<640xf32, #tpu.memory_space<hbm>>, %arg6: memref<2x2x10240xf32, #tpu.memory_space<hbm>>, %arg7: memref<80x128xi32, #tpu.memory_space<vmem>>, %arg8: memref<80x128xi32, #tpu.memory_space<vmem>>, %arg9: memref<128xf32, #tpu.memory_space<vmem>>, %arg10: memref<10240xf32, #tpu.memory_space<vmem_shared>>, %arg11: memref<10240xf32, #tpu.memory_space<vmem_shared>>, %arg12: memref<!tpu.dma_semaphore, #tpu.memory_space<semaphore_mem>>) attributes {dimension_semantics = [#tpu.dimension_semantics<core_parallel>, #tpu.dimension_semantics<subcore_parallel>], iteration_bounds = array<i64: 2, 16>, scalar_prefetch = 0 : i64, scratch_operands = 6 : i64, tpu.core_type = #tpu.core_type<sc_vector_subcore>, window_params = [{transform_indices = #map}, {transform_indices = #map}, {transform_indices = #map1}, {transform_indices = #map1}, {transform_indices = #map2}]} {
    %mul3A = arith.constant 16 : i32
    %mul3A_0 = arith.muli %arg0, %mul3A : i32
    %add3A = arith.addi %mul3A_0, %arg1 : i32
    %mul3A_1 = arith.constant 640 : i32
    %mul3A_2 = arith.muli %arg1, %mul3A_1 : i32
    "tpu.region"() ({
      %run_scoped3A_26 = tpu.sem_alloc : memref<!tpu.dma_semaphore, #tpu.memory_space<semaphore_mem>>
      %dma_start3A = tpu.memref_slice %arg10[%mul3A_2] : memref<10240xf32, #tpu.memory_space<vmem_shared>> -> memref<640xf32, #tpu.memory_space<vmem_shared>>
      tpu.enqueue_dma source(%arg5 : memref<640xf32, #tpu.memory_space<hbm>>) target(%dma_start3A : memref<640xf32, #tpu.memory_space<vmem_shared>>) target_semaphore(%run_scoped3A_26 : memref<!tpu.dma_semaphore, #tpu.memory_space<semaphore_mem>>)
      %dma_wait3A = tpu.memref_slice %arg10[%mul3A_2] : memref<10240xf32, #tpu.memory_space<vmem_shared>> -> memref<640xf32, #tpu.memory_space<vmem_shared>>
      tpu.wait_dma2 semaphore(%run_scoped3A_26 : memref<!tpu.dma_semaphore, #tpu.memory_space<semaphore_mem>>) src(%arg5 : memref<640xf32, #tpu.memory_space<hbm>>) dst(%dma_wait3A : memref<640xf32, #tpu.memory_space<vmem_shared>>)
      tpu.yield
    }) : () -> ()
    %mul3A_3 = arith.constant 640 : i32
    %mul3A_4 = arith.muli %arg1, %mul3A_3 : i32
    "tpu.region"() ({
      %run_scoped3A_26 = tpu.sem_alloc : memref<!tpu.dma_semaphore, #tpu.memory_space<semaphore_mem>>
      %dma_start3A = tpu.memref_slice %arg11[%mul3A_4] : memref<10240xf32, #tpu.memory_space<vmem_shared>> -> memref<640xf32, #tpu.memory_space<vmem_shared>>
      tpu.enqueue_dma source(%arg5 : memref<640xf32, #tpu.memory_space<hbm>>) target(%dma_start3A : memref<640xf32, #tpu.memory_space<vmem_shared>>) target_semaphore(%run_scoped3A_26 : memref<!tpu.dma_semaphore, #tpu.memory_space<semaphore_mem>>)
      %dma_wait3A = tpu.memref_slice %arg11[%mul3A_4] : memref<10240xf32, #tpu.memory_space<vmem_shared>> -> memref<640xf32, #tpu.memory_space<vmem_shared>>
      tpu.wait_dma2 semaphore(%run_scoped3A_26 : memref<!tpu.dma_semaphore, #tpu.memory_space<semaphore_mem>>) src(%arg5 : memref<640xf32, #tpu.memory_space<hbm>>) dst(%dma_wait3A : memref<640xf32, #tpu.memory_space<vmem_shared>>)
      tpu.yield
    }) : () -> ()
    "tpu.region"() ({
      %run_scoped3A_26 = tpu.sem_alloc : memref<!tpu.dma_semaphore, #tpu.memory_space<semaphore_mem>>
      tpu.enqueue_dma source(%arg4 : memref<128xf32, #tpu.memory_space<hbm>>) target(%arg9 : memref<128xf32, #tpu.memory_space<vmem>>) target_semaphore(%run_scoped3A_26 : memref<!tpu.dma_semaphore, #tpu.memory_space<semaphore_mem>>)
      tpu.wait_dma2 semaphore(%run_scoped3A_26 : memref<!tpu.dma_semaphore, #tpu.memory_space<semaphore_mem>>) src(%arg4 : memref<128xf32, #tpu.memory_space<hbm>>) dst(%arg9 : memref<128xf32, #tpu.memory_space<vmem>>)
      tpu.yield
    }) : () -> ()
    %mul3A_5 = arith.constant 80 : i32
    %mul3A_6 = arith.muli %add3A, %mul3A_5 : i32
    "tpu.region"() ({
      %run_scoped3A_26 = tpu.sem_alloc : memref<!tpu.dma_semaphore, #tpu.memory_space<semaphore_mem>>
      %dma_start3A = arith.constant 0 : i32
      %dma_start3A_27 = tpu.memref_slice %arg2[%mul3A_6, %dma_start3A] : memref<2560x128xi32, #tpu.memory_space<hbm>> -> memref<80x128xi32, #tpu.memory_space<hbm>>
      %dma_start3A_28 = arith.constant 0 : i32
      %dma_start3A_29 = tpu.memref_slice %arg2[%mul3A_6, %dma_start3A_28] : memref<2560x128xi32, #tpu.memory_space<hbm>> -> memref<80x128xi32, #tpu.memory_space<hbm>>
      tpu.enqueue_dma source(%dma_start3A_29 : memref<80x128xi32, #tpu.memory_space<hbm>>) target(%arg7 : memref<80x128xi32, #tpu.memory_space<vmem>>) target_semaphore(%run_scoped3A_26 : memref<!tpu.dma_semaphore, #tpu.memory_space<semaphore_mem>>)
      %dma_wait3A = arith.constant 0 : i32
      %dma_wait3A_30 = tpu.memref_slice %arg2[%mul3A_6, %dma_wait3A] : memref<2560x128xi32, #tpu.memory_space<hbm>> -> memref<80x128xi32, #tpu.memory_space<hbm>>
      %dma_wait3A_31 = arith.constant 0 : i32
      %dma_wait3A_32 = tpu.memref_slice %arg2[%mul3A_6, %dma_wait3A_31] : memref<2560x128xi32, #tpu.memory_space<hbm>> -> memref<80x128xi32, #tpu.memory_space<hbm>>
      tpu.wait_dma2 semaphore(%run_scoped3A_26 : memref<!tpu.dma_semaphore, #tpu.memory_space<semaphore_mem>>) src(%dma_wait3A_32 : memref<80x128xi32, #tpu.memory_space<hbm>>) dst(%arg7 : memref<80x128xi32, #tpu.memory_space<vmem>>)
      tpu.yield
    }) : () -> ()
    "tpu.region"() ({
      %run_scoped3A_26 = tpu.sem_alloc : memref<!tpu.dma_semaphore, #tpu.memory_space<semaphore_mem>>
      %dma_start3A = arith.constant 0 : i32
      %dma_start3A_27 = tpu.memref_slice %arg3[%mul3A_6, %dma_start3A] : memref<2560x128xi32, #tpu.memory_space<hbm>> -> memref<80x128xi32, #tpu.memory_space<hbm>>
      %dma_start3A_28 = arith.constant 0 : i32
      %dma_start3A_29 = tpu.memref_slice %arg3[%mul3A_6, %dma_start3A_28] : memref<2560x128xi32, #tpu.memory_space<hbm>> -> memref<80x128xi32, #tpu.memory_space<hbm>>
      tpu.enqueue_dma source(%dma_start3A_29 : memref<80x128xi32, #tpu.memory_space<hbm>>) target(%arg8 : memref<80x128xi32, #tpu.memory_space<vmem>>) target_semaphore(%run_scoped3A_26 : memref<!tpu.dma_semaphore, #tpu.memory_space<semaphore_mem>>)
      %dma_wait3A = arith.constant 0 : i32
      %dma_wait3A_30 = tpu.memref_slice %arg3[%mul3A_6, %dma_wait3A] : memref<2560x128xi32, #tpu.memory_space<hbm>> -> memref<80x128xi32, #tpu.memory_space<hbm>>
      %dma_wait3A_31 = arith.constant 0 : i32
      %dma_wait3A_32 = tpu.memref_slice %arg3[%mul3A_6, %dma_wait3A_31] : memref<2560x128xi32, #tpu.memory_space<hbm>> -> memref<80x128xi32, #tpu.memory_space<hbm>>
      tpu.wait_dma2 semaphore(%run_scoped3A_26 : memref<!tpu.dma_semaphore, #tpu.memory_space<semaphore_mem>>) src(%dma_wait3A_32 : memref<80x128xi32, #tpu.memory_space<hbm>>) dst(%arg8 : memref<80x128xi32, #tpu.memory_space<vmem>>)
      tpu.yield
    }) : () -> ()
    %barrier3A = arith.constant 0 : index
    tpu.barrier barrier_id(%barrier3A)
    %scan3A = arith.constant 0 : i32
    %scan3A_7 = arith.constant 80 : i32
    %scan3A_8 = arith.addi %scan3A, %scan3A_7 : i32
    %scan3A_9 = arith.constant 1 : i32
    scf.for %scan3A_26 = %scan3A to %scan3A_8 step %scan3A_9  : i32 {
      %dma_start3A = arith.constant 0 : i32
      %dma_start3A_27 = tpu.memref_slice %arg7[%scan3A_26, %dma_start3A] : memref<80x128xi32, #tpu.memory_space<vmem>> -> memref<1x128xi32, #tpu.memory_space<vmem>>
      %dma_start3A_28 = tpu.memref_squeeze %dma_start3A_27 : memref<1x128xi32, #tpu.memory_space<vmem>> -> memref<128xi32, #tpu.memory_space<vmem>>
      %dma_start3A_29 = arith.constant 0 : i32
      %dma_start3A_30 = tpu.memref_slice %arg10[%dma_start3A_29] : memref<10240xf32, #tpu.memory_space<vmem_shared>> -> memref<10240xf32, #tpu.memory_space<vmem_shared>>
      tpu.enqueue_indirect_dma source(%arg9 : memref<128xf32, #tpu.memory_space<vmem>>) target(%dma_start3A_30 : memref<10240xf32, #tpu.memory_space<vmem_shared>>) offsets(%dma_start3A_28 : memref<128xi32, #tpu.memory_space<vmem>>) semaphore(%arg12 : memref<!tpu.dma_semaphore, #tpu.memory_space<semaphore_mem>>) {add = true}
      %dma_start3A_31 = arith.constant 0 : i32
      %dma_start3A_32 = tpu.memref_slice %arg8[%scan3A_26, %dma_start3A_31] : memref<80x128xi32, #tpu.memory_space<vmem>> -> memref<1x128xi32, #tpu.memory_space<vmem>>
      %dma_start3A_33 = tpu.memref_squeeze %dma_start3A_32 : memref<1x128xi32, #tpu.memory_space<vmem>> -> memref<128xi32, #tpu.memory_space<vmem>>
      %dma_start3A_34 = arith.constant 0 : i32
      %dma_start3A_35 = tpu.memref_slice %arg11[%dma_start3A_34] : memref<10240xf32, #tpu.memory_space<vmem_shared>> -> memref<10240xf32, #tpu.memory_space<vmem_shared>>
      tpu.enqueue_indirect_dma source(%arg9 : memref<128xf32, #tpu.memory_space<vmem>>) target(%dma_start3A_35 : memref<10240xf32, #tpu.memory_space<vmem_shared>>) offsets(%dma_start3A_33 : memref<128xi32, #tpu.memory_space<vmem>>) semaphore(%arg12 : memref<!tpu.dma_semaphore, #tpu.memory_space<semaphore_mem>>) {add = true}
    }
    %scan3A_10 = arith.constant 80 : i32
    %scan3A_11 = arith.constant 0 : i32
    %scan3A_12 = arith.constant 160 : i32
    %scan3A_13 = arith.addi %scan3A_11, %scan3A_12 : i32
    %scan3A_14 = arith.constant 1 : i32
    scf.for %scan3A_26 = %scan3A_11 to %scan3A_13 step %scan3A_14  : i32 {
      tpu.wait_dma2 semaphore(%arg12 : memref<!tpu.dma_semaphore, #tpu.memory_space<semaphore_mem>>) src(%arg4 : memref<128xf32, #tpu.memory_space<hbm>>) dst(%arg9 : memref<128xf32, #tpu.memory_space<vmem>>)
    }
    %scan3A_15 = arith.constant 160 : i32
    %barrier3A_16 = arith.constant 0 : index
    tpu.barrier barrier_id(%barrier3A_16)
    %mul3A_17 = arith.constant 640 : i32
    %mul3A_18 = arith.muli %arg1, %mul3A_17 : i32
    %mul3A_19 = arith.constant 640 : i32
    %mul3A_20 = arith.muli %arg1, %mul3A_19 : i32
    %run_scoped3A = arith.constant 0 : i32
    "tpu.region"() ({
      %run_scoped3A_26 = tpu.sem_alloc : memref<!tpu.dma_semaphore, #tpu.memory_space<semaphore_mem>>
      %dma_start3A = tpu.memref_slice %arg6[%arg0, %run_scoped3A, %mul3A_20] : memref<2x2x10240xf32, #tpu.memory_space<hbm>> -> memref<1x1x640xf32, #tpu.memory_space<hbm>>
      %dma_start3A_27 = tpu.memref_squeeze %dma_start3A : memref<1x1x640xf32, #tpu.memory_space<hbm>> -> memref<640xf32, #tpu.memory_space<hbm>>
      %dma_start3A_28 = tpu.memref_slice %arg10[%mul3A_18] : memref<10240xf32, #tpu.memory_space<vmem_shared>> -> memref<640xf32, #tpu.memory_space<vmem_shared>>
      tpu.enqueue_dma source(%dma_start3A_28 : memref<640xf32, #tpu.memory_space<vmem_shared>>) target(%dma_start3A_27 : memref<640xf32, #tpu.memory_space<hbm>>) target_semaphore(%run_scoped3A_26 : memref<!tpu.dma_semaphore, #tpu.memory_space<semaphore_mem>>)
      %dma_wait3A = tpu.memref_slice %arg6[%arg0, %run_scoped3A, %mul3A_20] : memref<2x2x10240xf32, #tpu.memory_space<hbm>> -> memref<1x1x640xf32, #tpu.memory_space<hbm>>
      %dma_wait3A_29 = tpu.memref_squeeze %dma_wait3A : memref<1x1x640xf32, #tpu.memory_space<hbm>> -> memref<640xf32, #tpu.memory_space<hbm>>
      %dma_wait3A_30 = tpu.memref_slice %arg10[%mul3A_18] : memref<10240xf32, #tpu.memory_space<vmem_shared>> -> memref<640xf32, #tpu.memory_space<vmem_shared>>
      tpu.wait_dma2 semaphore(%run_scoped3A_26 : memref<!tpu.dma_semaphore, #tpu.memory_space<semaphore_mem>>) src(%dma_wait3A_30 : memref<640xf32, #tpu.memory_space<vmem_shared>>) dst(%dma_wait3A_29 : memref<640xf32, #tpu.memory_space<hbm>>)
      tpu.yield
    }) : () -> ()
    %mul3A_21 = arith.constant 640 : i32
    %mul3A_22 = arith.muli %arg1, %mul3A_21 : i32
    %mul3A_23 = arith.constant 640 : i32
    %mul3A_24 = arith.muli %arg1, %mul3A_23 : i32
    %run_scoped3A_25 = arith.constant 1 : i32
    "tpu.region"() ({
      %run_scoped3A_26 = tpu.sem_alloc : memref<!tpu.dma_semaphore, #tpu.memory_space<semaphore_mem>>
      %dma_start3A = tpu.memref_slice %arg6[%arg0, %run_scoped3A_25, %mul3A_24] : memref<2x2x10240xf32, #tpu.memory_space<hbm>> -> memref<1x1x640xf32, #tpu.memory_space<hbm>>
      %dma_start3A_27 = tpu.memref_squeeze %dma_start3A : memref<1x1x640xf32, #tpu.memory_space<hbm>> -> memref<640xf32, #tpu.memory_space<hbm>>
      %dma_start3A_28 = tpu.memref_slice %arg11[%mul3A_22] : memref<10240xf32, #tpu.memory_space<vmem_shared>> -> memref<640xf32, #tpu.memory_space<vmem_shared>>
      tpu.enqueue_dma source(%dma_start3A_28 : memref<640xf32, #tpu.memory_space<vmem_shared>>) target(%dma_start3A_27 : memref<640xf32, #tpu.memory_space<hbm>>) target_semaphore(%run_scoped3A_26 : memref<!tpu.dma_semaphore, #tpu.memory_space<semaphore_mem>>)
      %dma_wait3A = tpu.memref_slice %arg6[%arg0, %run_scoped3A_25, %mul3A_24] : memref<2x2x10240xf32, #tpu.memory_space<hbm>> -> memref<1x1x640xf32, #tpu.memory_space<hbm>>
      %dma_wait3A_29 = tpu.memref_squeeze %dma_wait3A : memref<1x1x640xf32, #tpu.memory_space<hbm>> -> memref<640xf32, #tpu.memory_space<hbm>>
      %dma_wait3A_30 = tpu.memref_slice %arg11[%mul3A_22] : memref<10240xf32, #tpu.memory_space<vmem_shared>> -> memref<640xf32, #tpu.memory_space<vmem_shared>>
      tpu.wait_dma2 semaphore(%run_scoped3A_26 : memref<!tpu.dma_semaphore, #tpu.memory_space<semaphore_mem>>) src(%dma_wait3A_30 : memref<640xf32, #tpu.memory_space<vmem_shared>>) dst(%dma_wait3A_29 : memref<640xf32, #tpu.memory_space<hbm>>)
      tpu.yield
    }) : () -> ()
    return
  }
}

module attributes {stable_mosaic.version = 14 : i64} {
  func.func @_lin_body(%arg0: i32, %arg1: memref<512x128xf32, #tpu.memory_space<vmem>>, %arg2: memref<512x128xf32, #tpu.memory_space<vmem>>, %arg3: memref<256x128xf32, #tpu.memory_space<vmem>>, %arg4: memref<2x2x512xf32, #tpu.memory_space<vmem>>, %arg5: memref<512x512xf32, #tpu.memory_space<vmem>>, %arg6: memref<512x128xf32, #tpu.memory_space<vmem>>, %arg7: memref<512xf32, #tpu.memory_space<vmem>>) attributes {dimension_semantics = [#tpu.dimension_semantics<arbitrary>], iteration_bounds = array<i64: 20>, scalar_prefetch = 0 : i64, scratch_operands = 0 : i64, tpu.core_type = #tpu.core_type<tc>, window_params = [{transform_indices = @transform_0, window_bounds = array<i64: 512, 128>}, {transform_indices = @transform_1, window_bounds = array<i64: 512, 128>}, {pipeline_mode = #tpu.pipeline_mode<synchronous>, transform_indices = @transform_2, window_bounds = array<i64: 256, 128>}, {transform_indices = @transform_3, window_bounds = array<i64: 2, 2, 512>}, {pipeline_mode = #tpu.pipeline_mode<synchronous>, transform_indices = @transform_4, window_bounds = array<i64: 512, 512>}, {transform_indices = @transform_5, window_bounds = array<i64: 512, 128>}, {transform_indices = @transform_6, window_bounds = array<i64: 512>}]} {
    %get3A = arith.constant 0 : index
    %get3A_0 = arith.constant 0 : index
    %get3A_1 = vector.load %arg1[%get3A, %get3A_0] : memref<512x128xf32, #tpu.memory_space<vmem>>, vector<512x128xf32>
    %get3A_2 = arith.constant 0 : index
    %get3A_3 = arith.constant 0 : index
    %get3A_4 = vector.load %arg2[%get3A_2, %get3A_3] : memref<512x128xf32, #tpu.memory_space<vmem>>, vector<512x128xf32>
    %get3A_5 = arith.constant 0 : index
    %get3A_6 = arith.constant 0 : index
    %get3A_7 = vector.load %arg3[%get3A_5, %get3A_6] : memref<256x128xf32, #tpu.memory_space<vmem>>, vector<256x128xf32>
    %slice3A = vector.extract_strided_slice %get3A_7 {offsets = [0, 0], sizes = [128, 128], strides = [1, 1]} : vector<256x128xf32> to vector<128x128xf32>
    %dot_general3A = arith.constant dense<0.000000e+00> : vector<512x128xf32>
    %dot_general3A_8 = tpu.matmul %get3A_1, %slice3A, %dot_general3A {dimension_numbers = #tpu.dot_dimension_numbers<[1], [0], [0], [1], [0, 0, 1, 1], [], []>, transpose_lhs_hint = false} : vector<512x128xf32>, vector<128x128xf32>, vector<512x128xf32> -> vector<512x128xf32>
    %slice3A_9 = vector.extract_strided_slice %get3A_7 {offsets = [128, 0], sizes = [128, 128], strides = [1, 1]} : vector<256x128xf32> to vector<128x128xf32>
    %dot_general3A_10 = arith.constant dense<0.000000e+00> : vector<512x128xf32>
    %dot_general3A_11 = tpu.matmul %get3A_4, %slice3A_9, %dot_general3A_10 {dimension_numbers = #tpu.dot_dimension_numbers<[1], [0], [0], [1], [0, 0, 1, 1], [], []>, transpose_lhs_hint = false} : vector<512x128xf32>, vector<128x128xf32>, vector<512x128xf32> -> vector<512x128xf32>
    %add3A = arith.addf %dot_general3A_8, %dot_general3A_11 : vector<512x128xf32>
    %get3A_12 = arith.constant 0 : index
    %get3A_13 = arith.constant 0 : index
    %get3A_14 = arith.constant 0 : index
    %get3A_15 = vector.load %arg4[%get3A_12, %get3A_13, %get3A_14] : memref<2x2x512xf32, #tpu.memory_space<vmem>>, vector<1x1x512xf32>
    %get3A_16 = vector.shape_cast %get3A_15 : vector<1x1x512xf32> to vector<512xf32>
    %get3A_17 = arith.constant 1 : index
    %get3A_18 = arith.constant 0 : index
    %get3A_19 = arith.constant 0 : index
    %get3A_20 = vector.load %arg4[%get3A_17, %get3A_18, %get3A_19] : memref<2x2x512xf32, #tpu.memory_space<vmem>>, vector<1x1x512xf32>
    %get3A_21 = vector.shape_cast %get3A_20 : vector<1x1x512xf32> to vector<512xf32>
    %add3A_22 = arith.addf %get3A_16, %get3A_21 : vector<512xf32>
    %get3A_23 = arith.constant 0 : index
    %get3A_24 = arith.constant 1 : index
    %get3A_25 = arith.constant 0 : index
    %get3A_26 = vector.load %arg4[%get3A_23, %get3A_24, %get3A_25] : memref<2x2x512xf32, #tpu.memory_space<vmem>>, vector<1x1x512xf32>
    %get3A_27 = vector.shape_cast %get3A_26 : vector<1x1x512xf32> to vector<512xf32>
    %get3A_28 = arith.constant 1 : index
    %get3A_29 = arith.constant 1 : index
    %get3A_30 = arith.constant 0 : index
    %get3A_31 = vector.load %arg4[%get3A_28, %get3A_29, %get3A_30] : memref<2x2x512xf32, #tpu.memory_space<vmem>>, vector<1x1x512xf32>
    %get3A_32 = vector.shape_cast %get3A_31 : vector<1x1x512xf32> to vector<512xf32>
    %add3A_33 = arith.addf %get3A_27, %get3A_32 : vector<512xf32>
    %max3A = arith.constant 1.000000e+00 : f32
    %max3A_34 = vector.broadcast %max3A : f32 to vector<512xf32>
    %max3A_35 = arith.maximumf %add3A_22, %max3A_34 : vector<512xf32>
    %rsqrt3A = math.rsqrt %max3A_35 : vector<512xf32>
    %max3A_36 = arith.constant 1.000000e+00 : f32
    %max3A_37 = vector.broadcast %max3A_36 : f32 to vector<512xf32>
    %max3A_38 = arith.maximumf %add3A_33, %max3A_37 : vector<512xf32>
    %rsqrt3A_39 = math.rsqrt %max3A_38 : vector<512xf32>
    %get3A_40 = arith.constant 0 : index
    %get3A_41 = arith.constant 0 : index
    %get3A_42 = vector.load %arg5[%get3A_40, %get3A_41] : memref<512x512xf32, #tpu.memory_space<vmem>>, vector<512x512xf32>
    %broadcast_in_dim3A = vector.shape_cast %rsqrt3A : vector<512xf32> to vector<1x512xf32>
    %mul3A = vector.broadcast %broadcast_in_dim3A : vector<1x512xf32> to vector<512x512xf32>
    %mul3A_43 = arith.mulf %get3A_42, %mul3A : vector<512x512xf32>
    %dot_general3A_44 = arith.constant dense<0.000000e+00> : vector<512x128xf32>
    %dot_general3A_45 = tpu.matmul %mul3A_43, %add3A, %dot_general3A_44 {dimension_numbers = #tpu.dot_dimension_numbers<[1], [0], [0], [1], [0, 0, 1, 1], [], []>, transpose_lhs_hint = false} : vector<512x512xf32>, vector<512x128xf32>, vector<512x128xf32> -> vector<512x128xf32>
    %swap3A = arith.constant 0 : index
    %swap3A_46 = arith.constant 0 : index
    %swap3A_47 = vector.load %arg6[%swap3A, %swap3A_46] : memref<512x128xf32, #tpu.memory_space<vmem>>, vector<512x128xf32>
    tpu.vector_store %arg6[%swap3A, %swap3A_46], %dot_general3A_45 {strides = array<i32>} : memref<512x128xf32, #tpu.memory_space<vmem>>, vector<512x128xf32>,
    %swap3A_48 = arith.constant 0 : index
    %swap3A_49 = vector.load %arg7[%swap3A_48] : memref<512xf32, #tpu.memory_space<vmem>>, vector<512xf32>
    tpu.vector_store %arg7[%swap3A_48], %rsqrt3A_39 {strides = array<i32>} : memref<512xf32, #tpu.memory_space<vmem>>, vector<512xf32>,
    return
  }
  func.func @transform_0(%arg0: i32) -> (i32, i32) {
    %c0_i32 = arith.constant 0 : i32
    %c0_i32_0 = arith.constant 0 : i32
    return %arg0, %c0_i32 : i32, i32
  }
  func.func @transform_1(%arg0: i32) -> (i32, i32) {
    %c0_i32 = arith.constant 0 : i32
    %c0_i32_0 = arith.constant 0 : i32
    return %arg0, %c0_i32 : i32, i32
  }
  func.func @transform_2(%arg0: i32) -> (i32, i32) {
    %c0_i32 = arith.constant 0 : i32
    %c0_i32_0 = arith.constant 0 : i32
    %c0_i32_1 = arith.constant 0 : i32
    return %c0_i32, %c0_i32_0 : i32, i32
  }
  func.func @transform_3(%arg0: i32) -> (i32, i32, i32) {
    %c0_i32 = arith.constant 0 : i32
    %c0_i32_0 = arith.constant 0 : i32
    %c0_i32_1 = arith.constant 0 : i32
    return %c0_i32, %c0_i32_0, %arg0 : i32, i32, i32
  }
  func.func @transform_4(%arg0: i32) -> (i32, i32) {
    %c0_i32 = arith.constant 0 : i32
    %c0_i32_0 = arith.constant 0 : i32
    %c0_i32_1 = arith.constant 0 : i32
    return %c0_i32, %c0_i32_0 : i32, i32
  }
  func.func @transform_5(%arg0: i32) -> (i32, i32) {
    %c0_i32 = arith.constant 0 : i32
    %c0_i32_0 = arith.constant 0 : i32
    return %arg0, %c0_i32 : i32, i32
  }
  func.func @transform_6(%arg0: i32) -> i32 {
    %c0_i32 = arith.constant 0 : i32
    return %arg0 : i32
  }
}

module attributes {stable_mosaic.version = 14 : i64} {
  func.func @_fin_body(%arg0: i32, %arg1: memref<2x512x128xf32, #tpu.memory_space<vmem>>, %arg2: memref<2x512xf32, #tpu.memory_space<vmem>>, %arg3: memref<2x2x512xf32, #tpu.memory_space<vmem>>, %arg4: memref<128x16xf32, #tpu.memory_space<vmem>>, %arg5: memref<128xf32, #tpu.memory_space<vmem>>, %arg6: memref<16xf32, #tpu.memory_space<vmem>>, %arg7: memref<512x512xf32, #tpu.memory_space<vmem>>, %arg8: memref<1x128xf32, #tpu.memory_space<vmem>>, %arg9: memref<1x128xf32, #tpu.memory_space<vmem>>) attributes {dimension_semantics = [#tpu.dimension_semantics<arbitrary>], iteration_bounds = array<i64: 20>, scalar_prefetch = 0 : i64, scratch_operands = 1 : i64, tpu.core_type = #tpu.core_type<tc>, window_params = [{transform_indices = @transform_0, window_bounds = array<i64: 2, 512, 128>}, {transform_indices = @transform_1, window_bounds = array<i64: 2, 512>}, {transform_indices = @transform_2, window_bounds = array<i64: 2, 2, 512>}, {pipeline_mode = #tpu.pipeline_mode<synchronous>, transform_indices = @transform_3, window_bounds = array<i64: 128, 16>}, {pipeline_mode = #tpu.pipeline_mode<synchronous>, transform_indices = @transform_4, window_bounds = array<i64: 128>}, {pipeline_mode = #tpu.pipeline_mode<synchronous>, transform_indices = @transform_5, window_bounds = array<i64: 16>}, {pipeline_mode = #tpu.pipeline_mode<synchronous>, transform_indices = @transform_6, window_bounds = array<i64: 512, 512>}, {pipeline_mode = #tpu.pipeline_mode<synchronous>, transform_indices = @transform_7, window_bounds = array<i64: 1, 128>}]} {
    %get3A = arith.constant 0 : index
    %get3A_0 = arith.constant 0 : index
    %get3A_1 = arith.constant 0 : index
    %get3A_2 = vector.load %arg1[%get3A, %get3A_0, %get3A_1] : memref<2x512x128xf32, #tpu.memory_space<vmem>>, vector<1x512x128xf32>
    %get3A_3 = vector.shape_cast %get3A_2 : vector<1x512x128xf32> to vector<512x128xf32>
    %get3A_4 = arith.constant 1 : index
    %get3A_5 = arith.constant 0 : index
    %get3A_6 = arith.constant 0 : index
    %get3A_7 = vector.load %arg1[%get3A_4, %get3A_5, %get3A_6] : memref<2x512x128xf32, #tpu.memory_space<vmem>>, vector<1x512x128xf32>
    %get3A_8 = vector.shape_cast %get3A_7 : vector<1x512x128xf32> to vector<512x128xf32>
    %add3A = arith.addf %get3A_3, %get3A_8 : vector<512x128xf32>
    %get3A_9 = arith.constant 0 : index
    %get3A_10 = arith.constant 1 : index
    %get3A_11 = arith.constant 0 : index
    %get3A_12 = vector.load %arg3[%get3A_9, %get3A_10, %get3A_11] : memref<2x2x512xf32, #tpu.memory_space<vmem>>, vector<1x1x512xf32>
    %get3A_13 = vector.shape_cast %get3A_12 : vector<1x1x512xf32> to vector<512xf32>
    %get3A_14 = arith.constant 1 : index
    %get3A_15 = arith.constant 1 : index
    %get3A_16 = arith.constant 0 : index
    %get3A_17 = vector.load %arg3[%get3A_14, %get3A_15, %get3A_16] : memref<2x2x512xf32, #tpu.memory_space<vmem>>, vector<1x1x512xf32>
    %get3A_18 = vector.shape_cast %get3A_17 : vector<1x1x512xf32> to vector<512xf32>
    %add3A_19 = arith.addf %get3A_13, %get3A_18 : vector<512xf32>
    %get3A_20 = arith.constant 0 : index
    %get3A_21 = arith.constant 0 : index
    %get3A_22 = arith.constant 0 : index
    %get3A_23 = vector.load %arg3[%get3A_20, %get3A_21, %get3A_22] : memref<2x2x512xf32, #tpu.memory_space<vmem>>, vector<1x1x512xf32>
    %get3A_24 = vector.shape_cast %get3A_23 : vector<1x1x512xf32> to vector<512xf32>
    %get3A_25 = arith.constant 1 : index
    %get3A_26 = arith.constant 0 : index
    %get3A_27 = arith.constant 0 : index
    %get3A_28 = vector.load %arg3[%get3A_25, %get3A_26, %get3A_27] : memref<2x2x512xf32, #tpu.memory_space<vmem>>, vector<1x1x512xf32>
    %get3A_29 = vector.shape_cast %get3A_28 : vector<1x1x512xf32> to vector<512xf32>
    %add3A_30 = arith.addf %get3A_24, %get3A_29 : vector<512xf32>
    %max3A = arith.constant 1.000000e+00 : f32
    %max3A_31 = vector.broadcast %max3A : f32 to vector<512xf32>
    %max3A_32 = arith.maximumf %add3A_19, %max3A_31 : vector<512xf32>
    %rsqrt3A = math.rsqrt %max3A_32 : vector<512xf32>
    %max3A_33 = arith.constant 1.000000e+00 : f32
    %max3A_34 = vector.broadcast %max3A_33 : f32 to vector<512xf32>
    %max3A_35 = arith.maximumf %add3A_30, %max3A_34 : vector<512xf32>
    %rsqrt3A_36 = math.rsqrt %max3A_35 : vector<512xf32>
    %get3A_37 = arith.constant 0 : index
    %get3A_38 = arith.constant 0 : index
    %get3A_39 = vector.load %arg7[%get3A_37, %get3A_38] : memref<512x512xf32, #tpu.memory_space<vmem>>, vector<512x512xf32>
    %broadcast_in_dim3A = vector.shape_cast %rsqrt3A : vector<512xf32> to vector<1x512xf32>
    %mul3A = vector.broadcast %broadcast_in_dim3A : vector<1x512xf32> to vector<512x512xf32>
    %mul3A_40 = arith.mulf %get3A_39, %mul3A : vector<512x512xf32>
    %dot_general3A = arith.constant dense<0.000000e+00> : vector<512x128xf32>
    %dot_general3A_41 = tpu.matmul %mul3A_40, %add3A, %dot_general3A {dimension_numbers = #tpu.dot_dimension_numbers<[1], [0], [0], [1], [0, 0, 1, 1], [], []>, transpose_lhs_hint = false} : vector<512x512xf32>, vector<512x128xf32>, vector<512x128xf32> -> vector<512x128xf32>
    %get3A_42 = arith.constant 0 : index
    %get3A_43 = vector.load %arg5[%get3A_42] : memref<128xf32, #tpu.memory_space<vmem>>, vector<128xf32>
    %broadcast_in_dim3A_44 = vector.shape_cast %get3A_43 : vector<128xf32> to vector<1x128xf32>
    %add3A_45 = vector.broadcast %broadcast_in_dim3A_44 : vector<1x128xf32> to vector<512x128xf32>
    %add3A_46 = arith.addf %dot_general3A_41, %add3A_45 : vector<512x128xf32>
    %max3A_47 = arith.constant 0.000000e+00 : f32
    %max3A_48 = vector.broadcast %max3A_47 : f32 to vector<512x128xf32>
    %max3A_49 = arith.maximumf %add3A_46, %max3A_48 : vector<512x128xf32>
    %mul3A_50 = arith.constant 512 : i32
    %mul3A_51 = arith.muli %arg0, %mul3A_50 : i32
    %iota3A = tpu.iota {dimensions = array<i32: 1>} : vector<1x512xi32>
    %iota3A_52 = vector.shape_cast %iota3A : vector<1x512xi32> to vector<512xi32>
    %add3A_53 = vector.broadcast %mul3A_51 : i32 to vector<512xi32>
    %add3A_54 = arith.addi %add3A_53, %iota3A_52 : vector<512xi32>
    %get3A_55 = arith.constant 0 : index
    %get3A_56 = arith.constant 0 : index
    %get3A_57 = vector.load %arg2[%get3A_55, %get3A_56] : memref<2x512xf32, #tpu.memory_space<vmem>>, vector<1x512xf32>
    %get3A_58 = vector.shape_cast %get3A_57 : vector<1x512xf32> to vector<512xf32>
    %get3A_59 = arith.constant 1 : index
    %get3A_60 = arith.constant 0 : index
    %get3A_61 = vector.load %arg2[%get3A_59, %get3A_60] : memref<2x512xf32, #tpu.memory_space<vmem>>, vector<1x512xf32>
    %get3A_62 = vector.shape_cast %get3A_61 : vector<1x512xf32> to vector<512xf32>
    %add3A_63 = arith.addf %get3A_58, %get3A_62 : vector<512xf32>
    %mul3A_64 = arith.mulf %add3A_63, %rsqrt3A_36 : vector<512xf32>
    %lt3A = arith.constant 10000 : i32
    %lt3A_65 = vector.broadcast %lt3A : i32 to vector<512xi32>
    %lt3A_66 = arith.cmpi slt, %add3A_54, %lt3A_65 : vector<512xi32>
    %jit3A = arith.constant 0.000000e+00 : f32
    %broadcast_in_dim3A_67 = vector.broadcast %jit3A : f32 to vector<512xf32>
    %select_n3A = arith.select %lt3A_66, %mul3A_64, %broadcast_in_dim3A_67 : vector<512xi1>, vector<512xf32>
    %broadcast_in_dim3A_68 = vector.shape_cast %select_n3A : vector<512xf32> to vector<1x512xf32>
    %dot_general3A_69 = arith.constant dense<0.000000e+00> : vector<1x128xf32>
    %dot_general3A_70 = tpu.matmul %broadcast_in_dim3A_68, %max3A_49, %dot_general3A_69 {dimension_numbers = #tpu.dot_dimension_numbers<[1], [0], [0], [1], [0, 0, 1, 1], [], []>, transpose_lhs_hint = false} : vector<1x512xf32>, vector<512x128xf32>, vector<1x128xf32> -> vector<1x128xf32>
    %eq3A = arith.constant 0 : i32
    %eq3A_71 = arith.cmpi eq, %arg0, %eq3A : i32
    %convert_element_type3A = arith.extui %eq3A_71 : i1 to i32
    %cond3A = arith.constant 0 : i32
    %cond3A_72 = arith.cmpi ne, %convert_element_type3A, %cond3A : i32
    scf.if %cond3A_72 {
      %broadcast_in_dim3A_84 = arith.constant 0.000000e+00 : f32
      %broadcast_in_dim3A_85 = vector.broadcast %broadcast_in_dim3A_84 : f32 to vector<1x128xf32>
      %swap3A_86 = arith.constant 0 : index
      %swap3A_87 = arith.constant 0 : index
      %swap3A_88 = vector.load %arg9[%swap3A_86, %swap3A_87] : memref<1x128xf32, #tpu.memory_space<vmem>>, vector<1x128xf32>
      tpu.vector_store %arg9[%swap3A_86, %swap3A_87], %broadcast_in_dim3A_85 {strides = array<i32>} : memref<1x128xf32, #tpu.memory_space<vmem>>, vector<1x128xf32>,
    } else {
    }
    %get3A_73 = arith.constant 0 : index
    %get3A_74 = arith.constant 0 : index
    %get3A_75 = vector.load %arg9[%get3A_73, %get3A_74] : memref<1x128xf32, #tpu.memory_space<vmem>>, vector<1x128xf32>
    %add3A_76 = arith.addf %get3A_75, %dot_general3A_70 : vector<1x128xf32>
    %swap3A = arith.constant 0 : index
    %swap3A_77 = arith.constant 0 : index
    %swap3A_78 = vector.load %arg9[%swap3A, %swap3A_77] : memref<1x128xf32, #tpu.memory_space<vmem>>, vector<1x128xf32>
    tpu.vector_store %arg9[%swap3A, %swap3A_77], %add3A_76 {strides = array<i32>} : memref<1x128xf32, #tpu.memory_space<vmem>>, vector<1x128xf32>,
    %eq3A_79 = arith.constant 19 : i32
    %eq3A_80 = arith.cmpi eq, %arg0, %eq3A_79 : i32
    %convert_element_type3A_81 = arith.extui %eq3A_80 : i1 to i32
    %cond3A_82 = arith.constant 0 : i32
    %cond3A_83 = arith.cmpi ne, %convert_element_type3A_81, %cond3A_82 : i32
    scf.if %cond3A_83 {
      %get3A_84 = arith.constant 0 : index
      %get3A_85 = arith.constant 0 : index
      %get3A_86 = vector.load %arg9[%get3A_84, %get3A_85] : memref<1x128xf32, #tpu.memory_space<vmem>>, vector<1x128xf32>
      %get3A_87 = arith.constant 0 : index
      %get3A_88 = arith.constant 0 : index
      %get3A_89 = vector.load %arg4[%get3A_87, %get3A_88] : memref<128x16xf32, #tpu.memory_space<vmem>>, vector<128x16xf32>
      %dot_general3A_90 = arith.constant dense<0.000000e+00> : vector<1x16xf32>
      %dot_general3A_91 = tpu.matmul %get3A_86, %get3A_89, %dot_general3A_90 {dimension_numbers = #tpu.dot_dimension_numbers<[1], [0], [0], [1], [0, 0, 1, 1], [], []>, transpose_lhs_hint = false} : vector<1x128xf32>, vector<128x16xf32>, vector<1x16xf32> -> vector<1x16xf32>
      %mul3A_92 = arith.constant 9.99999974E-5 : f32
      %mul3A_93 = vector.broadcast %mul3A_92 : f32 to vector<1x16xf32>
      %mul3A_94 = arith.mulf %dot_general3A_91, %mul3A_93 : vector<1x16xf32>
      %get3A_95 = arith.constant 0 : index
      %get3A_96 = vector.load %arg6[%get3A_95] : memref<16xf32, #tpu.memory_space<vmem>>, vector<16xf32>
      %broadcast_in_dim3A_97 = vector.shape_cast %get3A_96 : vector<16xf32> to vector<1x16xf32>
      %add3A_98 = arith.addf %mul3A_94, %broadcast_in_dim3A_97 : vector<1x16xf32>
      %jit3A_99 = arith.constant 0 : i32
      %convert_element_type3A_100 = arith.sitofp %jit3A_99 : i32 to f32
      %pad3A = vector.broadcast %convert_element_type3A_100 : f32 to vector<1x112xf32>
      %pad3A_101 = tpu.concatenate %add3A_98, %pad3A in 1 : vector<1x16xf32>, vector<1x112xf32> -> vector<1x128xf32>
      %swap3A_102 = arith.constant 0 : index
      %swap3A_103 = arith.constant 0 : index
      %swap3A_104 = vector.load %arg8[%swap3A_102, %swap3A_103] : memref<1x128xf32, #tpu.memory_space<vmem>>, vector<1x128xf32>
      tpu.vector_store %arg8[%swap3A_102, %swap3A_103], %pad3A_101 {strides = array<i32>} : memref<1x128xf32, #tpu.memory_space<vmem>>, vector<1x128xf32>,
    } else {
    }
    return
  }
  func.func @transform_0(%arg0: i32) -> (i32, i32, i32) {
    %c0_i32 = arith.constant 0 : i32
    %c0_i32_0 = arith.constant 0 : i32
    %c0_i32_1 = arith.constant 0 : i32
    return %c0_i32, %arg0, %c0_i32_0 : i32, i32, i32
  }
  func.func @transform_1(%arg0: i32) -> (i32, i32) {
    %c0_i32 = arith.constant 0 : i32
    %c0_i32_0 = arith.constant 0 : i32
    return %c0_i32, %arg0 : i32, i32
  }
  func.func @transform_2(%arg0: i32) -> (i32, i32, i32) {
    %c0_i32 = arith.constant 0 : i32
    %c0_i32_0 = arith.constant 0 : i32
    %c0_i32_1 = arith.constant 0 : i32
    return %c0_i32, %c0_i32_0, %arg0 : i32, i32, i32
  }
  func.func @transform_3(%arg0: i32) -> (i32, i32) {
    %c0_i32 = arith.constant 0 : i32
    %c0_i32_0 = arith.constant 0 : i32
    %c0_i32_1 = arith.constant 0 : i32
    return %c0_i32, %c0_i32_0 : i32, i32
  }
  func.func @transform_4(%arg0: i32) -> i32 {
    %c0_i32 = arith.constant 0 : i32
    %c0_i32_0 = arith.constant 0 : i32
    return %c0_i32 : i32
  }
  func.func @transform_5(%arg0: i32) -> i32 {
    %c0_i32 = arith.constant 0 : i32
    %c0_i32_0 = arith.constant 0 : i32
    return %c0_i32 : i32
  }
  func.func @transform_6(%arg0: i32) -> (i32, i32) {
    %c0_i32 = arith.constant 0 : i32
    %c0_i32_0 = arith.constant 0 : i32
    %c0_i32_1 = arith.constant 0 : i32
    return %c0_i32, %c0_i32_0 : i32, i32
  }
  func.func @transform_7(%arg0: i32) -> (i32, i32) {
    %c0_i32 = arith.constant 0 : i32
    %c0_i32_0 = arith.constant 0 : i32
    %c0_i32_1 = arith.constant 0 : i32
    return %c0_i32, %c0_i32_0 : i32, i32
  }
}

</mosaic_0001>

<sc_bundles>
// kernel: kernel.6.cloned.1.call-start
scs
__scs_entry_jumppad:
0x0: {  	(pc) =	sbr.rel $0x88, $3  }
0x1: {  	(tag) =	ssettag $0x0;
	lr =	simm.s32 $0x1  }
0x2: {  	[smem:$0x3F9A] =	sst lr;
	_ =	strace $0xD0000000  }
0x3: {  	_ = 	snop  }
0x4: {  	_ = 	snop  }
0x5: {  	_ = 	snop  }
0x6: {  	_ = 	snop  }
0x7: {  	_ = 	snop  }
__scs_overlays_trampoline_lowered:
0x8: {  	[smem:$0x3FA9] =	sst s0  }
0x9: {  	[smem:$0x3FAA] =	sst s1  }
0xa: {  	[smem:$0x3FAB] =	sst s2  }
0xb: {  	[smem:$0x3FAC] =	sst s3  }
0xc: {  	[smem:$0x3FAD] =	sst s4  }
0xd: {  	[smem:$0x3FAE] =	sst s5  }
0xe: {  	[smem:$0x3FAF] =	sst s6  }
0xf: {  	[smem:$0x3FB0] =	sst s7  }
0x10: {  	[smem:$0x3FB1] =	sst s8  }
0x11: {  	[smem:$0x3FB2] =	sst s9;
	s0 =	simm.s32 @!p0 $0x0  }
0x12: {  	s1 =	sld [smem:$0x3F98];
	s0 =	simm.s32 @p0 $0x1  }
0x13: {  	[smem:$0x3FB3] =	sst s0;
	s0 =	simm.s32 @!p1 $0x0  }
0x14: {  	s2 =	sld [smem:$0x3F97];
	s0 =	simm.s32 @p1 $0x1  }
0x15: {  	[smem:$0x3FB4] =	sst s0;
	s0 =	simm.s32 @!p2 $0x0  }
0x16: {  	s3 =	sld [smem:$0x3FDB];
	s0 =	simm.s32 @p2 $0x1  }
0x17: {  	s4 =	simm.s32 $0x1BF5;
	[smem:$0x3FB6] =	sst s0  }
0x18: {  	s0 =	sld [smem:$0x3F99];
	_ =	swait.ge [sflag:s4], $0x0  }
0x19: {  	s7 =	sld [smem:$0x3F9A]  }
0x1a: {  	s8 =	sadd.s32 $0xFFFFE003, lr  }
0x1b: {  	s9 =	sadd.s32 $0xFFFFFEF7, lr;
	s5 =	simm.s32 $0xFFFFFFFF;
	p2 =	slt.u32 s8, $0xFFFFF086  }
0x1c: {  	p1 =	slt.u32 s9, $0xF7A;
	s5 =	simm.s32 @!p2 $0x0  }
0x1d: {  	s5 =	simm.s32 @p1 $0x1;
	p0 =	seq.s32 s7, s2  }
0x1e: {  	s7 =	smul.u32 @!p0 $0xF7A, s2;
	p2 =	seq.s32 @!p0 s5, $0x0  }
0x1f: {  	s9 =	smul.u32 $0xF7A, s1;
	s8 =	simm.s32 @!p0 $0x1BF5;
	p2 =	por !p2, p0  }
0x20: {  	[sflag:s8] =	ssyncset.s32 @!p0 $0xFFFFF086;
	s6 =	sadd.s32 @!p0 s3, s7;
	s7 =	simm.s32 @!p0 $0x108  }
0x21: {  	s3 =	sadd.s32 s3, s9;
	s6 =	sadd.s32 @!p0 $0x88, s6;
	s7 =	simm.s32 @p2 $0x1082  }
0x22: {  	[simem:s7], [sflag:s8] =	dma.local @!p0 [hbm:s6], $0xF7A  }
0x23: {  	s9 =	sor.u32 $0xD0000000, s2;
	s6 =	simm.s32 $0x108;
	_ =	swait.ge @!p0 [sflag:s8], $0x0  }
0x24: {  	s3 =	sadd.s32 $0x88, s3;
	s6 =	simm.s32 @!p1 $0x1082;
	[sflag:s4] =	ssyncset.s32 $0xFFFFF086  }
0x25: {  	[simem:s6], [sflag:s4] =	dma.local [hbm:s3], $0xF7A  }
0x26: {  	[smem:$0x3F9A] =	sst s1;
	(tag) =	ssettag s2;
	_ =	strace s9  }
0x27: {  	s1 =	sld [smem:$0x3FAA]  }
0x28: {  	s2 =	sld [smem:$0x3FAB]  }
0x29: {  	s4 =	sld [smem:$0x3FAD]  }
0x2a: {  	p0 =	seq.s32 s5, $0x0;
	s5 =	sld [smem:$0x3FAE]  }
0x2b: {  	s6 =	sld [smem:$0x3FAF]  }
0x2c: {  	s7 =	sld [smem:$0x3FB0]  }
0x2d: {  	s3 =	simm.s32 $0x108;
	s8 =	sld [smem:$0x3FB1]  }
0x2e: {  	s3 =	simm.s32 @!p0 $0x1082;
	s9 =	sld [smem:$0x3FB2]  }
0x2f: {  	lr =	sadd.s32 s0, s3;
	s0 =	sld [smem:$0x3FA9]  }
0x30: {  	s3 =	sld [smem:$0x3FAC]  }
0x31: {  	[smem:$0x3FB5] =	sst s10  }
0x32: {  	s10 =	sld [smem:$0x3FB3];
	_ =	sdelay $0x3  }
0x33: {  	p0 =	seq.s32 s10, $0x1;
	s10 =	sld [smem:$0x3FB5];
	_ =	sdelay $0x3  }
0x34: {  	[smem:$0x3FB5] =	sst s10  }
0x35: {  	s10 =	sld [smem:$0x3FB4];
	_ =	sdelay $0x3  }
0x36: {  	p1 =	seq.s32 s10, $0x1;
	s10 =	sld [smem:$0x3FB5];
	_ =	sdelay $0x3  }
0x37: {  	[smem:$0x3FB5] =	sst s10  }
0x38: {  	s10 =	sld [smem:$0x3FB6]  }
0x39: {  	_ = 	snop;
	(pc) =	sbr.ind lr, $3  }
0x3a: {  	_ = 	snop  }
0x3b: {  	_ = 	snop  }
0x3c: {  	p2 =	seq.s32 s10, $0x1;
	s10 =	sld [smem:$0x3FB5]  }
0x3d: {  	_ =	shalt  }
0x3e: {  	_ =	shalt  }
0x3f: {  	_ =	shalt  }
0x40: {  	_ =	shalt  }
0x41: {  	_ =	shalt  }
0x42: {  	_ =	shalt  }
0x43: {  	_ =	shalt  }
0x44: {  	_ =	shalt  }
0x45: {  	_ =	shalt  }
0x46: {  	_ =	shalt  }
0x47: {  	_ =	shalt  }
0x48: {  	_ =	shalt  }
0x49: {  	_ =	shalt  }
0x4a: {  	_ =	shalt  }
0x4b: {  	_ =	shalt  }
0x4c: {  	_ =	shalt  }
0x4d: {  	_ =	shalt  }
0x4e: {  	_ =	shalt  }
0x4f: {  	_ =	shalt  }
0x50: {  	_ =	shalt  }
0x51: {  	_ =	shalt  }
0x52: {  	_ =	shalt  }
0x53: {  	_ =	shalt  }
0x54: {  	_ =	shalt  }
0x55: {  	_ =	shalt  }
0x56: {  	_ =	shalt  }
0x57: {  	_ =	shalt  }
0x58: {  	_ =	shalt  }
0x59: {  	_ =	shalt  }
0x5a: {  	_ =	shalt  }
0x5b: {  	_ =	shalt  }
0x5c: {  	_ =	shalt  }
0x5d: {  	_ =	shalt  }
0x5e: {  	_ =	shalt  }
0x5f: {  	_ =	shalt  }
0x60: {  	_ =	shalt  }
0x61: {  	_ =	shalt  }
0x62: {  	_ =	shalt  }
0x63: {  	_ =	shalt  }
0x64: {  	_ =	shalt  }
0x65: {  	_ =	shalt  }
0x66: {  	_ =	shalt  }
0x67: {  	_ =	shalt  }
0x68: {  	_ =	shalt  }
0x69: {  	_ =	shalt  }
0x6a: {  	_ =	shalt  }
0x6b: {  	_ =	shalt  }
0x6c: {  	_ =	shalt  }
0x6d: {  	_ =	shalt  }
0x6e: {  	_ =	shalt  }
0x6f: {  	_ =	shalt  }
0x70: {  	_ =	shalt  }
0x71: {  	_ =	shalt  }
0x72: {  	_ =	shalt  }
0x73: {  	_ =	shalt  }
0x74: {  	_ =	shalt  }
0x75: {  	_ =	shalt  }
0x76: {  	_ =	shalt  }
0x77: {  	_ =	shalt  }
0x78: {  	_ =	shalt  }
0x79: {  	_ =	shalt  }
0x7a: {  	_ =	shalt  }
0x7b: {  	_ =	shalt  }
0x7c: {  	_ =	shalt  }
0x7d: {  	_ =	shalt  }
0x7e: {  	_ =	shalt  }
0x7f: {  	_ =	shalt  }
0x80: {  	_ =	shalt  }
0x81: {  	_ =	shalt  }
0x82: {  	_ =	shalt  }
0x83: {  	_ =	shalt  }
0x84: {  	_ =	shalt  }
0x85: {  	_ =	shalt  }
0x86: {  	_ =	shalt  }
0x87: {  	_ =	shalt  }
.Lfunc_end0:
.L_simem_size_0:
called_computation_lowered:
.L_overlay_start_0:
0x88: {  	s2 =	sld [smem:$0x3FD9]  }
0x89: {  	s3 =	sld [smem:$0x3FFE];
	_ =	sdelay $0x1  }
0x8a: {  	s1 =	srdreg.scid  }
0x8b: {  	s0 =	sand.u32 $0x1, s1  }
0x8c: {  	s17 =	sshll.u32 s0, $0xA;
	s2 =	sadd.s32 s3, s2  }
0x8d: {  	s2 =	sadd.s32 s2, s17  }
0x8e: {  	[smem:$0x3FC1] =	sst s2  }
0x8f: {  	_ = 	snop  }
0x90: {  	s2 =	sld [smem:$0x3FD0];
	(tm) =	ssettm $0x1  }
0x91: {  	s18 =	sld [smem:$0x3FFB];
	_ =	sdelay $0x3  }
0x92: {  	_ =	strace s18  }
0x93: {  	s3 =	sld [smem:$0x3FFC];
	_ =	sdelay $0x3  }
0x94: {  	_ =	strace s3  }
0x95: {  	s3 =	sld [smem:$0x3FFD];
	_ =	sdelay $0x3  }
0x96: {  	_ =	strace s3  }
0x97: {  	_ =	strace $0x8FFFFFFF  }
0x98: {  	s19 =	sld [smem:$0x3FDB];
	_ =	sdelay $0x1  }
0x99: {  	s4 =	simm.s32 $_scs_section_size  }
0x9a: {  	s5 =	simm.s32 $_size__tile_overlayer_lowered;
	s6 =	simm.s32 $_tile_overlayer_lowered  }
0x9b: {  	s22 =	simm.s32 $0x1BFF;
	s21 =	sshll.u32 s6, $0x1;
	s3 =	sadd.s32 s4, s19  }
0x9c: {  	s7 =	simm.s32 $0x0;
	s20 =	sshll.u32 s5, $0x1;
	s5 =	sadd.s32 s21, s3  }
0x9d: {  	[timem:s7], [sflag:s22] =	dma.local [hbm:s5], s20  }
0x9e: {  	_ =	swait.ge [sflag:s22], s20  }
0x9f: {  	s4 =	ssub.s32 $0x0, s20;
	[sflag:s22] =	ssyncset.done $0x0  }
0xa0: {  	[sflag:s22] =	ssyncadd.s32 s4;
	_ =	sdelay $0x1  }
0xa1: {  	s23 =	simm.s32 $0x1B8B  }
0xa2: {  	_ =	swait.ge [sflag:s23], $0x1  }
0xa3: {  	[sflag:s23] =	ssyncset.done $0x0  }
0xa4: {  	s25 =	simm.s32 $0x1B8E;
	s24 =	sld [smem:$0x3FFE];
	[sflag:s23] =	ssyncadd.s32 $0xFFFFFFFF  }
0xa5: {  	s26 =	simm.s32 $execute0_lowered;
	[smem:$0x3FD2] =	sst s25  }
0xa6: {  	s5 =	sshll.u32 s26, $0x1;
	_ =	strace $0x80000046;
	[dreg:$0x1] =	wrdreg $0xFFFFFFFF  }
0xa7: {  	s28 =	simm.s32 $_size_execute0_lowered;
	s3 =	sadd.s32 s3, s5;
	[dreg:$0x0] =	wrdreg $0x0  }
0xa8: {  	s5 =	sshll.u32 s28, $0x1;
	[dreg:$0x2] =	wrdreg s3  }
0xa9: {  	[dreg:$0x3] =	wrdreg s5  }
0xaa: {  	[dreg:$0x4] =	wrdreg $0xC0  }
0xab: {  	_ =	task [dreg:s7], $0x5FFFF  }
0xac: {  	[dreg:$0x1] =	wrdreg $0xFFFFFFFF  }
0xad: {  	[dreg:$0x0] =	wrdreg $0x60  }
0xae: {  	[dreg:$0x2] =	wrdreg s24  }
0xaf: {  	[dreg:$0x3] =	wrdreg s2  }
0xb0: {  	[dreg:$0x4] =	wrdreg $0x50800  }
0xb1: {  	[dreg:$0x5] =	wrdreg $0x53000  }
0xb2: {  	[dreg:$0x6] =	wrdreg $0x9  }
0xb3: {  	_ =	task.clear_ibuf [dreg:s7], $0x7FFFF;
	_ =	strace $0x90000046  }
0xb4: {  	s29 =	simm.s32 $0x9;
	_ =	strace $0x80000048  }
0xb5: {  	_ =	swait.ge [sflag:s29], $0x1  }
0xb6: {  	[sflag:s29] =	ssyncadd.s32 $0xFFFFFFFF  }
0xb7: {  	_ =	strace $0x90000048  }
0xb8: {  	_ =	sfence  }
0xb9: {  	s30 =	sld [smem:$0x0];
	_ =	sdelay $0x2  }
0xba: {  	s31 =	sshll.u32 s1, $0xD;
	s1 =	sshrl.u32 s1, $0x2  }
0xbb: {  	s3 =	sand.u32 $0x4000, s31;
	s1 =	sadd.s32 s1, s30  }
0xbc: {  	s0 =	sor.u32 s3, s0;
	s1 =	sshll.u32 s1, $0x11  }
0xbd: {  	s0 =	sor.u32 s1, s0  }
0xbe: {  	s0 =	sadd.s32 $0x8F2B, s0  }
0xbf: {  	[sflag:s0] =	ssyncadd.remote.s32 $0x1  }
0xc0: {  	_ =	sfence.sel $0xFFFF  }
0xc1: {  	[dreg:$0x0] =	wrdreg $0xFFFFFFFF;
	(pc) =	sbr.abs _section_cstart, $3  }
0xc2: {  	[dreg:$0x1] =	wrdreg $0xFFFFFFFF  }
0xc3: {  	_ =	task.clear_ibuf [dreg:s7], $0x2FFFF;
	_ =	strace $0x9FFFFFFF  }
0xc4: {  	(tm) =	ssettm $0x7FFFFFFF  }
0xc5: {  	_ =	shalt  }
tec
execute0_lowered:
.L_overlay_start_1:
0x0: {  	(tag) =	ssettag $0x1  }
0x1: {  	s7 =	rddreg [dreg:$0x0]  }
0x2: {  	s1 =	rddreg [dreg:$0x1]  }
0x3: {  	s3 =	rddreg [dreg:$0x2]  }
0x4: {  	s0 =	srdreg.scid;
	s4 =	rddreg [dreg:$0x3]  }
0x5: {  	s5 =	simm.s32 $0x0;
	s17 =	simm.s32 $0x2800;
	s18 =	simm.s32 $0x80  }
0x6: {  	s19 =	simm.s32 $0x1;
	s20 =	simm.s32 $0x20;
	s8 =	sand.u32 $0x1, s0  }
0x7: {  	s21 =	simm.s32 $0x10;
	s0 =	stileid.u32;
	s9 =	smul.u32 $0x5000, s8  }
0x8: {  	s22 =	simm.s32 $0x0;
	[smem:$0x7FF] =	sst s5;
	s10 =	smul.u32 $0x500, s0  }
0x9: {  	s2 =	sshll.u32 s8, $0x4;
	s8 =	ssub.s32 $0x2, s8;
	s12 =	smul.u32 $0x280, s0  }
0xa: {  	s31 =	sshll.u32 s0, $0x6;
	s2 =	sor.u32 s0, s2;
	s30 =	sshrl.u32 s8, $0x1  }
0xb: {  	s6 =	smul.u32 $0x500, s2;
	s2 =	rddreg [dreg:$0x4];
	_ =	strace $0x80000047  }
0xc: {  	s9 =	sadd.s32 s10, s9;
	s14 =	ssub.s32 s8, s30;
	s15 =	sadd.s32 s12, s3  }
0xd: {  	s16 =	sadd.s32 s12, s4;
	s9 =	sshrl.u32 s9, $0x3;
	s12 =	smax.u32 s14, $0x1  }
0xe: {  	s14 =	simm.s32 $0x2;
	s11 =	sadd.s32 s6, s7;
	s6 =	sadd.s32 $0x16E00, s7  }
0xf: {  	s13 =	sadd.s32 s9, s7;
	s7 =	sor.u32 $0x1C02, s31;
	s8 =	sadd.s32 $0xCE00, s11  }
0x10: {  	s9 =	sadd.s32 $0x2E00, s11;
	s10 =	sadd.s32 $0x17000, s13;
	s11 =	sadd.s32 $0x17010, s13  }
0x11: {  	s13 =	sshrl.u32 s15, $0x3;
	s15 =	sshrl.u32 s16, $0x3;
	s16 =	simm.s32 $0x5000  }
.LBB2_1:
0x12: {  	[spmem:s13], [sflag:s7] =	dma.local [hbm:s6], $0x50  }
0x13: {  	_ =	swait.ge [sflag:s14], $0x50  }
0x14: {  	[sflag:s14] =	ssyncset.done $0x0  }
0x15: {  	[sflag:s14] =	ssyncadd.s32 $0xFFFFFFB0  }
0x16: {  	[spmem:s15], [sflag:s7] =	dma.local [hbm:s6], $0x50  }
0x17: {  	_ =	swait.ge [sflag:s14], $0x50  }
0x18: {  	[sflag:s14] =	ssyncset.done $0x0  }
0x19: {  	[sflag:s14] =	ssyncadd.s32 $0xFFFFFFB0  }
0x1a: {  	[tilespmem:s16], [sflag:$0x2] =	stream.linear.gather [hbm4b:s1+s5], $0x80, $0x38;
	[tilespmem:$0x5580] =	vst v63  }
0x1b: {  	_ =	swait.ge [sflag:s14], $0x80  }
0x1c: {  	[sflag:s14] =	ssyncset.done $0x0  }
0x1d: {  	[sflag:s14] =	ssyncadd.s32 $0xFFFFFF80  }
0x1e: {  	[tilespmem:s5], [sflag:$0x2] =	stream.linear.gather [hbm4b:s8+s5], $0x2800, $0x38;
	[tilespmem:$0x5580] =	vst v63  }
0x1f: {  	_ =	swait.ge [sflag:s14], $0x2800  }
0x20: {  	[sflag:s14] =	ssyncset.done $0x0  }
0x21: {  	[sflag:s14] =	ssyncadd.s32 $0xFFFFD800  }
0x22: {  	[tilespmem:s17], [sflag:$0x2] =	stream.linear.gather [hbm4b:s9+s5], $0x2800, $0x38;
	[tilespmem:$0x5580] =	vst v63  }
0x23: {  	_ =	swait.ge [sflag:s14], $0x2800  }
0x24: {  	[sflag:s14] =	ssyncset.done $0x0  }
0x25: {  	[sflag:s14] =	ssyncadd.s32 $0xFFFFD800  }
0x26: {  	s23 =	simm.s32 $0x0;
	[bflag:$0x0] =	sbarrier.arrive $0xFFFF  }
0x27: {  	[spmem:s3] =	stream.indirect.scatter.add.f32 [tilespmem:s16], [sflag:$0x1], $0x1, s23, s18, $0xb8;
	[tilespmem:$0x5580] =	vst v63  }
0x28: {  	s24 =	simm.s32 $0x2800;
	s23 =	simm.s32 $0x200  }
.LBB2_2:
0x29: {  	[spmem:s4] =	stream.indirect.scatter.add.f32 [tilespmem:s16], [sflag:$0x1], $0x1, s24, s18, $0xb8;
	[tilespmem:$0x5580] =	vst v63  }
0x2a: {  	s24 =	smov.u32 s23;
	p0 =	sne.s32 s23, $0x9E00  }
.Ltmp0:
0x2b: {  	s23 =	sadd.s32 $0x200, s23;
	(pc) =	sbr.rel @p0 .LBB2_2-.Ltmp0, $4  }
0x2c: {  	_ = 	snop  }
0x2d: {  	s24 =	sshra.s32 s24, $0x2  }
0x2e: {  	[spmem:s3] =	stream.indirect.scatter.add.f32 [tilespmem:s16], [sflag:$0x1], $0x1, s24, s18, $0xb8;
	[tilespmem:$0x5580] =	vst v63  }
0x2f: {  	s24 =	sadd.s32 $0x2800, s24  }
0x30: {  	[spmem:s4] =	stream.indirect.scatter.add.f32 [tilespmem:s16], [sflag:$0x1], $0x1, s24, s18, $0xb8;
	[tilespmem:$0x5580] =	vst v63  }
0x31: {  	_ =	swait.ge [sflag:s19], $0x80  }
0x32: {  	s23 =	simm.s32 $0x9F;
	[sflag:s19] =	ssyncset.done $0x0  }
.LBB2_4:
0x33: {  	p0 =	sne.s32 s23, $0x1;
	s23 =	sadd.s32 $0xFFFFFFFF, s23;
	[sflag:s19] =	ssyncadd.s32 $0xFFFFFF80  }
.Ltmp1:
0x34: {  	(pc) =	sbr.rel @p0 .LBB2_4-.Ltmp1, $3  }
0x35: {  	_ =	sdelay $0x1  }
0x36: {  	_ =	swait.ge [sflag:s19], $0x80  }
0x37: {  	[sflag:s19] =	ssyncset.done $0x0  }
0x38: {  	[sflag:s19] =	ssyncadd.s32 $0xFFFFFF80  }
0x39: {  	[bflag:$0x0] =	sbarrier.arrive $0xFFFF  }
0x3a: {  	[hbm:s10@s20], [sflag:s7] =	dma.strided [spmem:s13@s21], $0x50, s19, $0x10   }
0x3b: {  	s22 =	sadd.s32 $0x1, s22;
	_ =	swait.ge [sflag:s14], $0x50  }
0x3c: {  	p0 =	sne.s32 s22, s12;
	[sflag:s14] =	ssyncset.done $0x0  }
.Ltmp2:
0x3d: {  	[sflag:s14] =	ssyncadd.s32 $0xFFFFFFB0;
	(pc) =	sbr.rel @p0 .LBB2_1-.Ltmp2, $4  }
0x3e: {  	[hbm:s11@s20], [sflag:s7] =	dma.strided [spmem:s15@s21], $0x50, s19, $0x10   }
0x3f: {  	_ =	swait.ge [sflag:s14], $0x50  }
0x40: {  	[sflag:s14] =	ssyncset.done $0x0  }
0x41: {  	[sflag:s14] =	ssyncadd.s32 $0xFFFFFFB0  }
0x42: {  	_ =	sfence.sel $0x180000  }
0x43: {  	[bflag:$0x0] =	sbarrier.arrive $0xFFFF  }
0x44: {  	p0 =	sne.s32 s0, $0x0;
	_ =	strace $0x90000047  }
0x45: {  	s0 =	sadd.s32 @!p0 $0x100000, s2;
	[bflag:$0x2] =	sbarrier.arrive $0xFFFF  }
0x46: {  	[sflag:s0] =	ssyncadd.tile.s32 @!p0 $0x1;
	_ =	shalt  }
.Lfunc_end2:
_tile_overlayer_lowered:
.L_overlay_start_2:
0x47: {  	(tag) =	ssettag $0x2  }
0x48: {  	s0 =	rddreg [dreg:$0x0];
	s2 =	stileid.u32  }
0x49: {  	s1 =	rddreg [dreg:$0x1];
	p0 =	sne.s32 s2, $0x0  }
0x4a: {  	s3 =	rddreg [dreg:$0x2];
	[bflag:$0x3] =	sbarrier.arrive $0xFFFF;
	s2 =	simm.s32 @!p0 $0x1C02  }
0x4b: {  	[timem:s3], [sflag:s2] =	dma.local @!p0 [hbm:s0], s1  }
0x4c: {  	s0 =	simm.s32 @!p0 $0x2  }
0x4d: {  	_ =	swait.ge @!p0 [sflag:s0], s1  }
0x4e: {  	s1 =	ssub.s32 @!p0 $0x0, s1;
	[sflag:s0] =	ssyncset.done @!p0 $0x0  }
0x4f: {  	[sflag:s0] =	ssyncadd.s32 @!p0 s1  }
0x50: {  	[bflag:$0x3] =	sbarrier.arrive $0xFFFF  }
0x51: {  	_ =	shalt  }

// kernel: kernel.9.cloned.1.call-start
scs
__scs_entry_jumppad:
0x0: {  	(pc) =	sbr.rel $0x88, $3  }
0x1: {  	(tag) =	ssettag $0x0;
	lr =	simm.s32 $0x1  }
0x2: {  	[smem:$0x3F9A] =	sst lr;
	_ =	strace $0xD0000000  }
0x3: {  	_ = 	snop  }
0x4: {  	_ = 	snop  }
0x5: {  	_ = 	snop  }
0x6: {  	_ = 	snop  }
0x7: {  	_ = 	snop  }
__scs_overlays_trampoline_lowered:
0x8: {  	[smem:$0x3FA9] =	sst s0  }
0x9: {  	[smem:$0x3FAA] =	sst s1  }
0xa: {  	[smem:$0x3FAB] =	sst s2  }
0xb: {  	[smem:$0x3FAC] =	sst s3  }
0xc: {  	[smem:$0x3FAD] =	sst s4  }
0xd: {  	[smem:$0x3FAE] =	sst s5  }
0xe: {  	[smem:$0x3FAF] =	sst s6  }
0xf: {  	[smem:$0x3FB0] =	sst s7  }
0x10: {  	[smem:$0x3FB1] =	sst s8  }
0x11: {  	[smem:$0x3FB2] =	sst s9;
	s0 =	simm.s32 @!p0 $0x0  }
0x12: {  	s1 =	sld [smem:$0x3F98];
	s0 =	simm.s32 @p0 $0x1  }
0x13: {  	[smem:$0x3FB3] =	sst s0;
	s0 =	simm.s32 @!p1 $0x0  }
0x14: {  	s2 =	sld [smem:$0x3F97];
	s0 =	simm.s32 @p1 $0x1  }
0x15: {  	[smem:$0x3FB4] =	sst s0;
	s0 =	simm.s32 @!p2 $0x0  }
0x16: {  	s3 =	sld [smem:$0x3FDB];
	s0 =	simm.s32 @p2 $0x1  }
0x17: {  	s4 =	simm.s32 $0x1BF5;
	[smem:$0x3FB6] =	sst s0  }
0x18: {  	s0 =	sld [smem:$0x3F99];
	_ =	swait.ge [sflag:s4], $0x0  }
0x19: {  	s7 =	sld [smem:$0x3F9A]  }
0x1a: {  	s8 =	sadd.s32 $0xFFFFE003, lr  }
0x1b: {  	s9 =	sadd.s32 $0xFFFFFEF7, lr;
	s5 =	simm.s32 $0xFFFFFFFF;
	p2 =	slt.u32 s8, $0xFFFFF086  }
0x1c: {  	p1 =	slt.u32 s9, $0xF7A;
	s5 =	simm.s32 @!p2 $0x0  }
0x1d: {  	s5 =	simm.s32 @p1 $0x1;
	p0 =	seq.s32 s7, s2  }
0x1e: {  	s7 =	smul.u32 @!p0 $0xF7A, s2;
	p2 =	seq.s32 @!p0 s5, $0x0  }
0x1f: {  	s9 =	smul.u32 $0xF7A, s1;
	s8 =	simm.s32 @!p0 $0x1BF5;
	p2 =	por !p2, p0  }
0x20: {  	[sflag:s8] =	ssyncset.s32 @!p0 $0xFFFFF086;
	s6 =	sadd.s32 @!p0 s3, s7;
	s7 =	simm.s32 @!p0 $0x108  }
0x21: {  	s3 =	sadd.s32 s3, s9;
	s6 =	sadd.s32 @!p0 $0x88, s6;
	s7 =	simm.s32 @p2 $0x1082  }
0x22: {  	[simem:s7], [sflag:s8] =	dma.local @!p0 [hbm:s6], $0xF7A  }
0x23: {  	s9 =	sor.u32 $0xD0000000, s2;
	s6 =	simm.s32 $0x108;
	_ =	swait.ge @!p0 [sflag:s8], $0x0  }
0x24: {  	s3 =	sadd.s32 $0x88, s3;
	s6 =	simm.s32 @!p1 $0x1082;
	[sflag:s4] =	ssyncset.s32 $0xFFFFF086  }
0x25: {  	[simem:s6], [sflag:s4] =	dma.local [hbm:s3], $0xF7A  }
0x26: {  	[smem:$0x3F9A] =	sst s1;
	(tag) =	ssettag s2;
	_ =	strace s9  }
0x27: {  	s1 =	sld [smem:$0x3FAA]  }
0x28: {  	s2 =	sld [smem:$0x3FAB]  }
0x29: {  	s4 =	sld [smem:$0x3FAD]  }
0x2a: {  	p0 =	seq.s32 s5, $0x0;
	s5 =	sld [smem:$0x3FAE]  }
0x2b: {  	s6 =	sld [smem:$0x3FAF]  }
0x2c: {  	s7 =	sld [smem:$0x3FB0]  }
0x2d: {  	s3 =	simm.s32 $0x108;
	s8 =	sld [smem:$0x3FB1]  }
0x2e: {  	s3 =	simm.s32 @!p0 $0x1082;
	s9 =	sld [smem:$0x3FB2]  }
0x2f: {  	lr =	sadd.s32 s0, s3;
	s0 =	sld [smem:$0x3FA9]  }
0x30: {  	s3 =	sld [smem:$0x3FAC]  }
0x31: {  	[smem:$0x3FB5] =	sst s10  }
0x32: {  	s10 =	sld [smem:$0x3FB3];
	_ =	sdelay $0x3  }
0x33: {  	p0 =	seq.s32 s10, $0x1;
	s10 =	sld [smem:$0x3FB5];
	_ =	sdelay $0x3  }
0x34: {  	[smem:$0x3FB5] =	sst s10  }
0x35: {  	s10 =	sld [smem:$0x3FB4];
	_ =	sdelay $0x3  }
0x36: {  	p1 =	seq.s32 s10, $0x1;
	s10 =	sld [smem:$0x3FB5];
	_ =	sdelay $0x3  }
0x37: {  	[smem:$0x3FB5] =	sst s10  }
0x38: {  	s10 =	sld [smem:$0x3FB6]  }
0x39: {  	_ = 	snop;
	(pc) =	sbr.ind lr, $3  }
0x3a: {  	_ = 	snop  }
0x3b: {  	_ = 	snop  }
0x3c: {  	p2 =	seq.s32 s10, $0x1;
	s10 =	sld [smem:$0x3FB5]  }
0x3d: {  	_ =	shalt  }
0x3e: {  	_ =	shalt  }
0x3f: {  	_ =	shalt  }
0x40: {  	_ =	shalt  }
0x41: {  	_ =	shalt  }
0x42: {  	_ =	shalt  }
0x43: {  	_ =	shalt  }
0x44: {  	_ =	shalt  }
0x45: {  	_ =	shalt  }
0x46: {  	_ =	shalt  }
0x47: {  	_ =	shalt  }
0x48: {  	_ =	shalt  }
0x49: {  	_ =	shalt  }
0x4a: {  	_ =	shalt  }
0x4b: {  	_ =	shalt  }
0x4c: {  	_ =	shalt  }
0x4d: {  	_ =	shalt  }
0x4e: {  	_ =	shalt  }
0x4f: {  	_ =	shalt  }
0x50: {  	_ =	shalt  }
0x51: {  	_ =	shalt  }
0x52: {  	_ =	shalt  }
0x53: {  	_ =	shalt  }
0x54: {  	_ =	shalt  }
0x55: {  	_ =	shalt  }
0x56: {  	_ =	shalt  }
0x57: {  	_ =	shalt  }
0x58: {  	_ =	shalt  }
0x59: {  	_ =	shalt  }
0x5a: {  	_ =	shalt  }
0x5b: {  	_ =	shalt  }
0x5c: {  	_ =	shalt  }
0x5d: {  	_ =	shalt  }
0x5e: {  	_ =	shalt  }
0x5f: {  	_ =	shalt  }
0x60: {  	_ =	shalt  }
0x61: {  	_ =	shalt  }
0x62: {  	_ =	shalt  }
0x63: {  	_ =	shalt  }
0x64: {  	_ =	shalt  }
0x65: {  	_ =	shalt  }
0x66: {  	_ =	shalt  }
0x67: {  	_ =	shalt  }
0x68: {  	_ =	shalt  }
0x69: {  	_ =	shalt  }
0x6a: {  	_ =	shalt  }
0x6b: {  	_ =	shalt  }
0x6c: {  	_ =	shalt  }
0x6d: {  	_ =	shalt  }
0x6e: {  	_ =	shalt  }
0x6f: {  	_ =	shalt  }
0x70: {  	_ =	shalt  }
0x71: {  	_ =	shalt  }
0x72: {  	_ =	shalt  }
0x73: {  	_ =	shalt  }
0x74: {  	_ =	shalt  }
0x75: {  	_ =	shalt  }
0x76: {  	_ =	shalt  }
0x77: {  	_ =	shalt  }
0x78: {  	_ =	shalt  }
0x79: {  	_ =	shalt  }
0x7a: {  	_ =	shalt  }
0x7b: {  	_ =	shalt  }
0x7c: {  	_ =	shalt  }
0x7d: {  	_ =	shalt  }
0x7e: {  	_ =	shalt  }
0x7f: {  	_ =	shalt  }
0x80: {  	_ =	shalt  }
0x81: {  	_ =	shalt  }
0x82: {  	_ =	shalt  }
0x83: {  	_ =	shalt  }
0x84: {  	_ =	shalt  }
0x85: {  	_ =	shalt  }
0x86: {  	_ =	shalt  }
0x87: {  	_ =	shalt  }
.Lfunc_end0:
.L_simem_size_0:
called_computation.1_lowered:
.L_overlay_start_0:
0x88: {  	s2 =	sld [smem:$0x3FD9]  }
0x89: {  	s3 =	sld [smem:$0x3FFE];
	_ =	sdelay $0x1  }
0x8a: {  	s1 =	srdreg.scid  }
0x8b: {  	s0 =	sand.u32 $0x1, s1  }
0x8c: {  	s16 =	sshll.u32 s0, $0xA;
	s2 =	sadd.s32 s3, s2  }
0x8d: {  	s2 =	sadd.s32 s2, s16  }
0x8e: {  	[smem:$0x3FC1] =	sst s2  }
0x8f: {  	_ = 	snop  }
0x90: {  	(tm) =	ssettm $0x1  }
0x91: {  	s17 =	sld [smem:$0x3FFB];
	_ =	sdelay $0x3  }
0x92: {  	_ =	strace s17  }
0x93: {  	s2 =	sld [smem:$0x3FFC];
	_ =	sdelay $0x3  }
0x94: {  	_ =	strace s2  }
0x95: {  	s2 =	sld [smem:$0x3FFD];
	_ =	sdelay $0x3  }
0x96: {  	_ =	strace s2  }
0x97: {  	_ =	strace $0x8FFFFFFF  }
0x98: {  	s18 =	sld [smem:$0x3FDB];
	_ =	sdelay $0x1  }
0x99: {  	s19 =	simm.s32 $_scs_section_size  }
0x9a: {  	s4 =	simm.s32 $_size__tile_overlayer_lowered;
	s5 =	simm.s32 $_tile_overlayer_lowered  }
0x9b: {  	s22 =	simm.s32 $0x1BFF;
	s21 =	sshll.u32 s5, $0x1;
	s2 =	sadd.s32 s19, s18  }
0x9c: {  	s6 =	simm.s32 $0x0;
	s20 =	sshll.u32 s4, $0x1;
	s4 =	sadd.s32 s21, s2  }
0x9d: {  	[timem:s6], [sflag:s22] =	dma.local [hbm:s4], s20  }
0x9e: {  	_ =	swait.ge [sflag:s22], s20  }
0x9f: {  	s3 =	ssub.s32 $0x0, s20;
	[sflag:s22] =	ssyncset.done $0x0  }
0xa0: {  	[sflag:s22] =	ssyncadd.s32 s3;
	_ =	sdelay $0x1  }
0xa1: {  	s23 =	simm.s32 $0x1B8B  }
0xa2: {  	_ =	swait.ge [sflag:s23], $0x1  }
0xa3: {  	[sflag:s23] =	ssyncset.done $0x0  }
0xa4: {  	s25 =	simm.s32 $0x1B8E;
	s24 =	sld [smem:$0x3FFE];
	[sflag:s23] =	ssyncadd.s32 $0xFFFFFFFF  }
0xa5: {  	s26 =	simm.s32 $execute0_lowered;
	[smem:$0x3FD2] =	sst s25  }
0xa6: {  	s4 =	sshll.u32 s26, $0x1;
	_ =	strace $0x80000049;
	[dreg:$0x1] =	wrdreg $0xFFFFFFFF  }
0xa7: {  	s28 =	simm.s32 $_size_execute0_lowered;
	s2 =	sadd.s32 s2, s4;
	[dreg:$0x0] =	wrdreg $0x0  }
0xa8: {  	s4 =	sshll.u32 s28, $0x1;
	[dreg:$0x2] =	wrdreg s2  }
0xa9: {  	[dreg:$0x3] =	wrdreg s4  }
0xaa: {  	[dreg:$0x4] =	wrdreg $0xC0  }
0xab: {  	_ =	task [dreg:s6], $0x5FFFF  }
0xac: {  	[dreg:$0x1] =	wrdreg $0xFFFFFFFF  }
0xad: {  	[dreg:$0x0] =	wrdreg $0x60  }
0xae: {  	[dreg:$0x2] =	wrdreg s24  }
0xaf: {  	[dreg:$0x3] =	wrdreg $0xB9000  }
0xb0: {  	[dreg:$0x4] =	wrdreg $0x1F9000  }
0xb1: {  	[dreg:$0x5] =	wrdreg $0x1FB800  }
0xb2: {  	[dreg:$0x6] =	wrdreg $0x9  }
0xb3: {  	_ =	task.clear_ibuf [dreg:s6], $0x7FFFF;
	_ =	strace $0x90000049  }
0xb4: {  	s29 =	simm.s32 $0x9;
	_ =	strace $0x8000004B  }
0xb5: {  	_ =	swait.ge [sflag:s29], $0x1  }
0xb6: {  	[sflag:s29] =	ssyncadd.s32 $0xFFFFFFFF  }
0xb7: {  	_ =	strace $0x9000004B  }
0xb8: {  	_ =	sfence  }
0xb9: {  	s30 =	sld [smem:$0x0];
	_ =	sdelay $0x2  }
0xba: {  	s31 =	sshll.u32 s1, $0xD;
	s1 =	sshrl.u32 s1, $0x2  }
0xbb: {  	s3 =	sand.u32 $0x4000, s31;
	s1 =	sadd.s32 s1, s30  }
0xbc: {  	s0 =	sor.u32 s3, s0;
	s1 =	sshll.u32 s1, $0x11  }
0xbd: {  	s0 =	sor.u32 s1, s0  }
0xbe: {  	s0 =	sadd.s32 $0x8F2B, s0  }
0xbf: {  	[sflag:s0] =	ssyncadd.remote.s32 $0x1  }
0xc0: {  	_ =	sfence.sel $0xFFFF  }
0xc1: {  	[dreg:$0x0] =	wrdreg $0xFFFFFFFF;
	(pc) =	sbr.abs _section_cstart, $3  }
0xc2: {  	[dreg:$0x1] =	wrdreg $0xFFFFFFFF  }
0xc3: {  	_ =	task.clear_ibuf [dreg:s6], $0x2FFFF;
	_ =	strace $0x9FFFFFFF  }
0xc4: {  	(tm) =	ssettm $0x7FFFFFFF  }
0xc5: {  	_ =	shalt  }
tec
execute0_lowered:
.L_overlay_start_1:
0x0: {  	(tag) =	ssettag $0x1  }
0x1: {  	s0 =	rddreg [dreg:$0x0]  }
0x2: {  	s2 =	rddreg [dreg:$0x1]  }
0x3: {  	s3 =	rddreg [dreg:$0x2]  }
0x4: {  	s4 =	rddreg [dreg:$0x3];
	s15 =	stileid.u32  }
0x5: {  	s1 =	srdreg.scid;
	s9 =	smul.u32 $0x280, s15  }
0x6: {  	s5 =	simm.s32 $0x0;
	s1 =	sand.u32 $0x1, s1;
	s11 =	smul.u32 $0x14000, s15  }
0x7: {  	[smem:$0x7FF] =	sst s5;
	s6 =	sadd.s32 $0x18400, s0;
	s21 =	smul.u32 $0x500, s15  }
0x8: {  	s7 =	sadd.s32 $0x2C400, s0;
	s8 =	sadd.s32 $0x40400, s0;
	s25 =	smul.u32 $0x50000, s15  }
0x9: {  	s14 =	sadd.s32 $0x16E00, s0;
	s10 =	smul.u32 $0x140000, s1;
	_ =	strace $0x8000004A  }
0xa: {  	s13 =	sshll.u32 s1, $0x7;
	[dreg:$0x5] =	wrdreg s14;
	s24 =	sshll.u32 s1, $0x4  }
0xb: {  	s1 =	ssub.s32 $0x2, s1;
	s14 =	simm.s32 $0x11;
	s12 =	sshrl.u32 s9, $0x3  }
0xc: {  	s23 =	sor.u32 s13, s21;
	s26 =	sshrl.u32 s1, $0x1;
	s13 =	sshrl.u32 s25, $0x2  }
0xd: {  	s28 =	sadd.s32 s9, s3;
	s9 =	sadd.s32 s9, s4;
	s10 =	sadd.s32 s11, s10  }
0xe: {  	s12 =	sadd.s32 s12, s0;
	s11 =	sor.u32 s15, s24;
	s1 =	ssub.s32 s1, s26  }
0xf: {  	[dreg:$0x6] =	wrdreg s28;
	s25 =	sshrl.u32 s9, $0x3;
	s9 =	simm.s32 $0xC00  }
0x10: {  	s15 =	smul.u32 $0xA00, s11;
	s12 =	sadd.s32 $0x17000, s12;
	[dreg:$0x13] =	wrdreg s25  }
0x11: {  	s10 =	sshrl.u32 s10, $0x3;
	s20 =	smax.u32 s1, $0x1;
	[dreg:$0x7] =	wrdreg s12  }
0x12: {  	s1 =	simm.s32 $0x12;
	[dreg:$0xe] =	wrdreg s20;
	s16 =	sadd.s32 s6, s15  }
0x13: {  	s22 =	sadd.s32 s10, s0;
	s17 =	sadd.s32 s7, s15;
	[dreg:$0x8] =	wrdreg s16  }
0x14: {  	s29 =	sor.u32 $0x80, s15;
	s19 =	sadd.s32 $0x68400, s22;
	[dreg:$0x9] =	wrdreg s17  }
0x15: {  	s10 =	sshrl.u32 s23, $0x3;
	s18 =	sadd.s32 s6, s29;
	[dreg:$0xc] =	wrdreg s19  }
0x16: {  	s0 =	sadd.s32 s10, s0;
	s12 =	sadd.s32 s7, s29;
	[dreg:$0xa] =	wrdreg s18  }
0x17: {  	s10 =	sadd.s32 s13, s2;
	s0 =	sadd.s32 $0x17600, s0;
	[dreg:$0xb] =	wrdreg s12  }
0x18: {  	s13 =	simm.s32 $0xD;
	s21 =	sadd.s32 $0x2000, s10;
	[dreg:$0xd] =	wrdreg s0  }
0x19: {  	s15 =	simm.s32 $0x0;
	s22 =	sadd.s32 $0x4000, s10;
	[dreg:$0xf] =	wrdreg s21  }
0x1a: {  	s17 =	smul.u32 $0x14, s11;
	s23 =	sadd.s32 $0x6000, s10;
	[dreg:$0x10] =	wrdreg s22  }
.Ltmp0:
0x1b: {  	s24 =	sadd.s32 $0x8000, s10;
	[dreg:$0x11] =	wrdreg s23;
	(pc) =	sbr.rel .LBB2_1-.Ltmp0, $4  }
0x1c: {  	s26 =	sadd.s32 $0xA000, s10;
	s28 =	sadd.s32 $0xC000, s10;
	[dreg:$0x12] =	wrdreg s24  }
0x1d: {  	s29 =	sadd.s32 $0xE000, s10;
	s30 =	sadd.s32 $0x10000, s10;
	[dreg:$0x14] =	wrdreg s26  }
0x1e: {  	s31 =	sadd.s32 $0x12000, s10;
	s11 =	simm.s32 $0x1;
	[dreg:$0x15] =	wrdreg s28  }
0x1f: {  	v0 =	vimm.f32 $0.0e+00;
	[dreg:$0x16] =	wrdreg s29;
	s0 =	simm.s32 $0x1800;
	s12 =	simm.s32 $0x40  }
.LBB2_12:
0x20: {  	_ =	swait.ge [sflag:s13], $0x2000  }
0x21: {  	[sflag:s13] =	ssyncset.done $0x0  }
0x22: {  	[sflag:s13] =	ssyncadd.s32 $0xFFFFE000  }
0x23: {  	_ =	swait.ge [sflag:s14], $0x40  }
0x24: {  	[sflag:s14] =	ssyncset.done $0x0  }
0x25: {  	[sflag:s14] =	ssyncadd.s32 $0xFFFFFFC0  }
0x26: {  	[bflag:$0x0] =	sbarrier.arrive $0xFFFF  }
0x27: {  	s19 =	sshrl.u32 s10, $0x3;
	s20 =	rddreg [dreg:$0xc]  }
0x28: {  	[hbm:s20], [sflag:s16] =	dma.local [spmem:s19], $0x2800  }
0x29: {  	_ =	swait.ge [sflag:s1], $0x2800  }
0x2a: {  	s28 =	simm.s32 $0x20;
	[sflag:s1] =	ssyncset.done $0x0  }
0x2b: {  	s21 =	simm.s32 $0x10;
	s26 =	rddreg [dreg:$0xd];
	[sflag:s1] =	ssyncadd.s32 $0xFFFFD800  }
0x2c: {  	[hbm:s26@s28], [sflag:s16] =	dma.strided [spmem:s18@s21], $0x50, s11, $0x10   }
0x2d: {  	_ =	swait.ge [sflag:s1], $0x50  }
0x2e: {  	s15 =	sadd.s32 $0x1, s15;
	s29 =	rddreg [dreg:$0xe]  }
0x2f: {  	p0 =	sne.s32 s15, s29  }
.Ltmp1:
0x30: {  	_ = 	snop;
	(pc) =	sbr.rel @!p0 .LBB2_13-.Ltmp1, $3  }
0x31: {  	_ =	sdelay $0x1  }
0x32: {  	[sflag:s1] =	ssyncset.done $0x0  }
0x33: {  	[sflag:s1] =	ssyncadd.s32 $0xFFFFFFB0  }
.LBB2_1:
0x34: {  	s16 =	simm.s32 $0x0;
	s18 =	simm.s32 $0x200  }
.LBB2_2:
0x35: {  	p0 =	sne.s32 s18, $0x7E00;
	[tilespmem:s16+$0x1870] =	vst v0  }
0x36: {  	[tilespmem:s16+$0x1800] =	vst v0  }
0x37: {  	[tilespmem:s16+$0x1810] =	vst v0  }
.Ltmp2:
0x38: {  	[tilespmem:s16+$0x1820] =	vst v0;
	(pc) =	sbr.rel @p0 .LBB2_2-.Ltmp2, $4  }
0x39: {  	[tilespmem:s16+$0x1830] =	vst v0  }
0x3a: {  	[tilespmem:s16+$0x1840] =	vst v0  }
0x3b: {  	[tilespmem:s16+$0x1850] =	vst v0  }
0x3c: {  	[tilespmem:s16+$0x1860] =	vst v0;
	s16 =	sshra.s32 s18, $0x2;
	s18 =	sadd.s32 $0x200, s18  }
0x3d: {  	[tilespmem:s16+$0x1870] =	vst v0  }
0x3e: {  	[tilespmem:s16+$0x1800] =	vst v0  }
0x3f: {  	[tilespmem:s16+$0x1810] =	vst v0  }
0x40: {  	[tilespmem:s16+$0x1820] =	vst v0  }
0x41: {  	[tilespmem:s16+$0x1830] =	vst v0  }
0x42: {  	[tilespmem:s16+$0x1840] =	vst v0  }
0x43: {  	[tilespmem:s16+$0x1850] =	vst v0  }
0x44: {  	[tilespmem:s16+$0x1860] =	vst v0  }
0x45: {  	[spmem:s10] =	stream.linear.scatter [tilespmem:s0], [sflag:$0x12], $0x2000, $0x38;
	[tilespmem:$0x1FE00] =	vst v63  }
0x46: {  	_ =	swait.ge [sflag:s1], $0x2000  }
0x47: {  	[sflag:s1] =	ssyncset.done $0x0  }
0x48: {  	s29 =	rddreg [dreg:$0xf];
	[sflag:s1] =	ssyncadd.s32 $0xFFFFE000  }
0x49: {  	[spmem:s29] =	stream.linear.scatter [tilespmem:s0], [sflag:$0x12], $0x2000, $0x38;
	[tilespmem:$0x1FE00] =	vst v63  }
0x4a: {  	_ =	swait.ge [sflag:s1], $0x2000  }
0x4b: {  	[sflag:s1] =	ssyncset.done $0x0  }
0x4c: {  	s18 =	rddreg [dreg:$0x10];
	[sflag:s1] =	ssyncadd.s32 $0xFFFFE000  }
0x4d: {  	[spmem:s18] =	stream.linear.scatter [tilespmem:s0], [sflag:$0x12], $0x2000, $0x38;
	[tilespmem:$0x1FE00] =	vst v63  }
0x4e: {  	_ =	swait.ge [sflag:s1], $0x2000  }
0x4f: {  	[sflag:s1] =	ssyncset.done $0x0  }
0x50: {  	s19 =	rddreg [dreg:$0x11];
	[sflag:s1] =	ssyncadd.s32 $0xFFFFE000  }
0x51: {  	[spmem:s19] =	stream.linear.scatter [tilespmem:s0], [sflag:$0x12], $0x2000, $0x38;
	[tilespmem:$0x1FE00] =	vst v63  }
0x52: {  	_ =	swait.ge [sflag:s1], $0x2000  }
0x53: {  	[sflag:s1] =	ssyncset.done $0x0  }
0x54: {  	s20 =	rddreg [dreg:$0x12];
	[sflag:s1] =	ssyncadd.s32 $0xFFFFE000  }
0x55: {  	[spmem:s20] =	stream.linear.scatter [tilespmem:s0], [sflag:$0x12], $0x2000, $0x38;
	[tilespmem:$0x1FE00] =	vst v63  }
0x56: {  	_ =	swait.ge [sflag:s1], $0x2000  }
0x57: {  	[sflag:s1] =	ssyncset.done $0x0  }
0x58: {  	s21 =	rddreg [dreg:$0x14];
	[sflag:s1] =	ssyncadd.s32 $0xFFFFE000  }
0x59: {  	[spmem:s21] =	stream.linear.scatter [tilespmem:s0], [sflag:$0x12], $0x2000, $0x38;
	[tilespmem:$0x1FE00] =	vst v63  }
0x5a: {  	_ =	swait.ge [sflag:s1], $0x2000  }
0x5b: {  	[sflag:s1] =	ssyncset.done $0x0  }
0x5c: {  	s22 =	rddreg [dreg:$0x15];
	[sflag:s1] =	ssyncadd.s32 $0xFFFFE000  }
0x5d: {  	[spmem:s22] =	stream.linear.scatter [tilespmem:s0], [sflag:$0x12], $0x2000, $0x38;
	[tilespmem:$0x1FE00] =	vst v63  }
0x5e: {  	_ =	swait.ge [sflag:s1], $0x2000  }
0x5f: {  	[sflag:s1] =	ssyncset.done $0x0  }
0x60: {  	s23 =	rddreg [dreg:$0x16];
	[sflag:s1] =	ssyncadd.s32 $0xFFFFE000  }
0x61: {  	[spmem:s23] =	stream.linear.scatter [tilespmem:s0], [sflag:$0x12], $0x2000, $0x38;
	[tilespmem:$0x1FE00] =	vst v63  }
0x62: {  	_ =	swait.ge [sflag:s1], $0x2000  }
0x63: {  	[sflag:s1] =	ssyncset.done $0x0  }
0x64: {  	[sflag:s1] =	ssyncadd.s32 $0xFFFFE000  }
0x65: {  	[spmem:s30] =	stream.linear.scatter [tilespmem:s0], [sflag:$0x12], $0x2000, $0x38;
	[tilespmem:$0x1FE00] =	vst v63  }
0x66: {  	_ =	swait.ge [sflag:s1], $0x2000  }
0x67: {  	[sflag:s1] =	ssyncset.done $0x0  }
0x68: {  	s24 =	stileid.u32;
	[sflag:s1] =	ssyncadd.s32 $0xFFFFE000  }
0x69: {  	[spmem:s31] =	stream.linear.scatter [tilespmem:s0], [sflag:$0x12], $0x2000, $0x38;
	[tilespmem:$0x1FE00] =	vst v63  }
0x6a: {  	s16 =	sshll.u32 s24, $0x6;
	_ =	swait.ge [sflag:s1], $0x2000  }
0x6b: {  	s16 =	sor.u32 $0x1C12, s16;
	[sflag:s1] =	ssyncset.done $0x0;
	s18 =	rddreg [dreg:$0x6]  }
0x6c: {  	s19 =	rddreg [dreg:$0x5];
	[sflag:s1] =	ssyncadd.s32 $0xFFFFE000;
	s18 =	sshrl.u32 s18, $0x3  }
0x6d: {  	[spmem:s18], [sflag:s16] =	dma.local [hbm:s19], $0x50  }
0x6e: {  	_ =	swait.ge [sflag:s1], $0x50  }
0x6f: {  	[sflag:s1] =	ssyncset.done $0x0;
	s25 =	rddreg [dreg:$0x7]  }
0x70: {  	s20 =	rddreg [dreg:$0x13];
	[sflag:s1] =	ssyncadd.s32 $0xFFFFFFB0  }
0x71: {  	[spmem:s20], [sflag:s16] =	dma.local [hbm:s25], $0x50  }
0x72: {  	_ =	swait.ge [sflag:s1], $0x50  }
0x73: {  	[sflag:s1] =	ssyncset.done $0x0  }
0x74: {  	s19 =	simm.s32 $0x0;
	s26 =	rddreg [dreg:$0x8];
	[sflag:s1] =	ssyncadd.s32 $0xFFFFFFB0  }
0x75: {  	[tilespmem:s19], [sflag:$0x1] =	stream.linear.gather [hbm4b:s26+s19], $0x400, $0x38;
	[tilespmem:$0x1FE00] =	vst v63  }
0x76: {  	s28 =	rddreg [dreg:$0x9]  }
0x77: {  	[tilespmem:s9], [sflag:$0x1] =	stream.linear.gather [hbm4b:s28+s19], $0x400, $0x38;
	[tilespmem:$0x1FE00] =	vst v63  }
0x78: {  	_ =	swait.ge [sflag:s11], $0x400  }
0x79: {  	[sflag:s11] =	ssyncset.done $0x0  }
0x7a: {  	[sflag:s11] =	ssyncadd.s32 $0xFFFFFC00  }
0x7b: {  	_ =	swait.ge [sflag:s11], $0x400  }
0x7c: {  	[sflag:s11] =	ssyncset.done $0x0  }
0x7d: {  	s21 =	simm.s32 $0x400;
	s29 =	rddreg [dreg:$0xa];
	[sflag:s11] =	ssyncadd.s32 $0xFFFFFC00  }
0x7e: {  	[tilespmem:s21], [sflag:$0x2] =	stream.linear.gather [hbm4b:s29+s19], $0x400, $0x38;
	[tilespmem:$0x1FE00] =	vst v63  }
0x7f: {  	s23 =	simm.s32 $0x1000;
	s22 =	rddreg [dreg:$0xb]  }
0x80: {  	[tilespmem:s23], [sflag:$0x2] =	stream.linear.gather [hbm4b:s22+s19], $0x400, $0x38;
	[tilespmem:$0x1FE00] =	vst v63  }
0x81: {  	[bflag:$0x0] =	sbarrier.arrive $0xFFFF  }
0x82: {  	[tilespmem:s0], [sflag:$0x4] =	stream.indirect.gather [hbm4b:s8+s12], $0x80, s19, s12, $0xb8;
	[tilespmem:$0x1FE00] =	vst v63  }
0x83: {  	s24 =	simm.s32 $0x3800;
	s20 =	simm.s32 $0x80  }
0x84: {  	[tilespmem:s24], [sflag:$0x5] =	stream.indirect.gather [hbm4b:s8+s12], $0x80, s20, s12, $0xb8;
	[tilespmem:$0x1FE00] =	vst v63  }
0x85: {  	s25 =	simm.s32 $0x100;
	s22 =	simm.s32 $0x5800  }
0x86: {  	[tilespmem:s22], [sflag:$0x6] =	stream.indirect.gather [hbm4b:s8+s12], $0x80, s25, s12, $0xb8;
	[tilespmem:$0x1FE00] =	vst v63  }
0x87: {  	s26 =	simm.s32 $0x180;
	s28 =	simm.s32 $0x7800  }
0x88: {  	[tilespmem:s28], [sflag:$0x7] =	stream.indirect.gather [hbm4b:s8+s12], $0x80, s26, s12, $0xb8;
	[tilespmem:$0x1FE00] =	vst v63  }
0x89: {  	s29 =	simm.s32 $0xB800  }
0x8a: {  	[tilespmem:s29], [sflag:$0xE] =	stream.indirect.gather [spmem:s4], $0x1, s9, s12, $0xb8;
	[tilespmem:$0x1FE00] =	vst v63  }
.LBB2_4:
0x8b: {  	s21 =	smul.u32 $0xCD, s19;
	s22 =	sshrl.u32 s19, $0x3  }
0x8c: {  	s23 =	smul.u32 $0xAB, s22  }
0x8d: {  	s21 =	sshrl.u32 s21, $0xA  }
0x8e: {  	s21 =	sand.u32 $0x3F, s21;
	s23 =	sshrl.u32 s23, $0x9  }
0x8f: {  	s21 =	smul.u32 $0x5, s21;
	s23 =	sand.u32 $0x7F, s23  }
0x90: {  	s23 =	smul.u32 $0x3, s23  }
0x91: {  	s29 =	sadd.s32 $0xFFFFFF80, s20;
	p0 =	seq.s32 s19, $0x0;
	s21 =	ssub.s32 s19, s21  }
0x92: {  	s24 =	sand.u32 $0xFF, s21;
	s26 =	ssub.s32 s22, s23;
	s23 =	sand.u32 $0x380, s29  }
.Ltmp3:
0x93: {  	s25 =	sadd.s32 $0x4, s24;
	s21 =	sand.u32 $0xFF, s26;
	(pc) =	sbr.rel @p0 .LBB2_5-.Ltmp3, $4  }
0x94: {  	s28 =	sshll.u32 s24, $0xD;
	_ =	swait.ge [sflag:s25], $0x2000;
	s21 =	sshll.u32 s21, $0xA  }
0x95: {  	s24 =	sadd.s32 $0x9, s24;
	s21 =	sor.u32 s23, s21;
	[sflag:s25] =	ssyncset.done $0x0  }
0x96: {  	s22 =	sor.u32 $0x1800, s28;
	[sflag:s25] =	ssyncadd.s32 $0xFFFFE000;
	s23 =	sadd.s32 $0xC00, s21  }
0x97: {  	[spmem:s2] =	stream.indirect.scatter.add.f32 [tilespmem:s22], [sflag:s24], $0x80, s23, s12, $0xb8;
	[tilespmem:$0x1FE00] =	vst v63  }
0x98: {  	s23 =	sadd.s32 $0x4, s19  }
0x99: {  	p1 =	sgt.u32 s19, $0x9B;
	s24 =	sand.u32 $0xFF, s23;
	s22 =	sand.u32 $0x7, s23  }
0x9a: {  	s26 =	simm.s32 @!p1 $0x0;
	s25 =	smul.u32 $0xCD, s24;
	p2 =	sne.s32 @!p1 s22, $0x0  }
0x9b: {  	s24 =	sshrl.u32 s23, $0x3;
	s26 =	simm.s32 @p1 $0x1;
	p3 =	por p2, p1  }
0x9c: {  	[smem:$0x7FB] =	sst s26;
	s25 =	sshrl.u32 s25, $0xA;
	s26 =	smul.u32 @!p3 $0xAB, s24  }
0x9d: {  	s25 =	smul.u32 $0x5, s25  }
0x9e: {  	s26 =	sshrl.u32 @!p3 s26, $0x9  }
0x9f: {  	s25 =	ssub.s32 s23, s25;
	s26 =	sand.u32 @!p3 $0x7F, s26  }
0xa0: {  	s25 =	sand.u32 $0xFF, s25;
	s26 =	smul.u32 @!p3 $0x3, s26  }
0xa1: {  	s25 =	sadd.s32 $0x9, s25  }
0xa2: {  	_ =	swait.ge [sflag:s25], $0x2000;
	s26 =	ssub.s32 @!p3 s24, s26  }
0xa3: {  	[sflag:s25] =	ssyncset.done $0x0;
	s26 =	sand.u32 @!p3 $0xFF, s26  }
0xa4: {  	p1 =	por !p2, p1;
	[sflag:s25] =	ssyncadd.s32 $0xFFFFE000;
	s25 =	sadd.s32 @!p3 $0x1, s26  }
0xa5: {  	s26 =	simm.s32 @!p1 $0x0;
	_ =	swait.ge @!p3 [sflag:s25], $0x400  }
0xa6: {  	s26 =	simm.s32 @p1 $0x1;
	[sflag:s25] =	ssyncset.done @!p3 $0x0  }
0xa7: {  	[smem:$0x7FC] =	sst s26;
	[sflag:s25] =	ssyncadd.s32 @!p3 $0xFFFFFC00  }
0xa8: {  	s26 =	sld [smem:$0x7FC];
	_ =	swait.ge @!p3 [sflag:s25], $0x400  }
0xa9: {  	s29 =	sld [smem:$0x7FB];
	_ =	sdelay $0x1  }
0xaa: {  	p5 =	seq.s32 s22, $0x0;
	p4 =	por @!p3 $0x1, $0x1;
	p6 =	seq.s32 s26, $0x1  }
0xab: {  	p2 =	por p4, p4;
	p4 =	por @!p6 p5, p5;
	p6 =	seq.s32 s29, $0x1  }
0xac: {  	p5 =	por @!p6 p4, p4;
	p4 =	sgt.u32 s19, $0x93  }
0xad: {  	s26 =	simm.s32 @!p4 $0x0  }
0xae: {  	s28 =	sld [smem:$0x7FC];
	s26 =	simm.s32 @p4 $0x1  }
0xaf: {  	[smem:$0x7FD] =	sst s26  }
0xb0: {  	s29 =	sld [smem:$0x7FD];
	_ =	sdelay $0x1  }
0xb1: {  	p1 =	slt.u32 s19, $0x9C;
	p4 =	seq.s32 s28, $0x1  }
0xb2: {  	p2 =	por @!p4 p1, p1;
	p4 =	seq.s32 s29, $0x1  }
0xb3: {  	p4 =	por p4, !p5  }
.Ltmp4:
0xb4: {  	_ = 	snop;
	(pc) =	sbr.rel @p4 .LBB2_8-.Ltmp4, $3  }
0xb5: {  	_ =	sdelay $0x1  }
0xb6: {  	[sflag:s25] =	ssyncset.done @!p3 $0x0  }
0xb7: {  	[sflag:s25] =	ssyncadd.s32 @!p3 $0xFFFFFC00;
	p1 =	por @!p6 p2, p2  }
0xb8: {  	s25 =	sadd.s32 $0x1, s24  }
0xb9: {  	s26 =	smul.u32 $0xAB, s25;
	_ =	sdelay $0x1  }
0xba: {  	s26 =	sshrl.u32 s26, $0x9  }
0xbb: {  	s26 =	sand.u32 $0x7F, s26  }
0xbc: {  	s28 =	sadd.s32 s17, s25;
	s26 =	smul.u32 $0x3, s26  }
0xbd: {  	s29 =	sshll.u32 s28, $0x7  }
0xbe: {  	s25 =	ssub.s32 s25, s26;
	s26 =	sand.u32 $0x1FFFFF80, s29  }
.Ltmp5:
0xbf: {  	s25 =	sand.u32 $0xFF, s25;
	s29 =	sadd.s32 s6, s26;
	(pc) =	sbr.rel @p1 .LBB2_9-.Ltmp5, $4  }
.Ltmp6:
0xc0: {  	s28 =	sadd.s32 $0x1, s25;
	s25 =	sshll.u32 s25, $0xA;
	(pc) =	sbr.rel @!p1 .LBB2_10-.Ltmp6, $4  }
0xc1: {  	[tilespmem:s25], [sflag:s28] =	stream.linear.gather [hbm4b:s29+s5], $0x400, $0x38;
	[tilespmem:$0x1FE00] =	vst v63  }
0xc2: {  	s26 =	sadd.s32 s7, s26;
	s25 =	sadd.s32 $0xC00, s25  }
0xc3: {  	[tilespmem:s25], [sflag:s28] =	stream.linear.gather [hbm4b:s26+s5], $0x400, $0x38;
	[tilespmem:$0x1FE00] =	vst v63  }
0xc4: {  	_ = 	snop  }
.LBB2_5:
.Ltmp7:
0xc5: {  	(pc) =	sbr.rel .LBB2_9-.Ltmp7, $2  }
0xc6: {  	_ =	sdelay $0x2  }
0xc7: {  	s22 =	simm.s32 $0x4;
	s24 =	simm.s32 $0x0;
	s23 =	simm.s32 $0x4  }
.LBB2_8:
.Ltmp8:
0xc8: {  	(pc) =	sbr.rel @!p1 .LBB2_10-.Ltmp8, $1  }
0xc9: {  	_ =	sdelay $0x3  }
.LBB2_9:
0xca: {  	s25 =	sand.u32 $0xFF, s23  }
0xcb: {  	s26 =	sand.u32 $0xFF, s24;
	s25 =	smul.u32 $0xCD, s25  }
0xcc: {  	s26 =	smul.u32 $0xAB, s26  }
0xcd: {  	s25 =	sshrl.u32 s25, $0xA  }
0xce: {  	s26 =	sshrl.u32 s26, $0x9;
	s25 =	smul.u32 $0x5, s25  }
0xcf: {  	s26 =	smul.u32 $0x3, s26;
	_ =	sdelay $0x1  }
0xd0: {  	s25 =	ssub.s32 s23, s25;
	s28 =	ssub.s32 s24, s26  }
0xd1: {  	s23 =	sand.u32 $0xFF, s25;
	s24 =	sand.u32 $0xFF, s28  }
0xd2: {  	s22 =	sshll.u32 s22, $0x7;
	s29 =	sshll.u32 s23, $0xD;
	s24 =	sshll.u32 s24, $0xA  }
0xd3: {  	s23 =	sadd.s32 $0x4, s23;
	s25 =	sor.u32 $0x1800, s29;
	s22 =	sor.u32 s22, s24  }
0xd4: {  	[tilespmem:s25], [sflag:s23] =	stream.indirect.gather [hbm4b:s8+s12], $0x80, s22, s12, $0xb8;
	[tilespmem:$0x1FE00] =	vst v63  }
.LBB2_10:
0xd5: {  	s22 =	sand.u32 $0x1, s19  }
0xd6: {  	s23 =	sor.u32 $0xE, s22  }
0xd7: {  	p1 =	seq.s32 @!p0 s19, $0x9F;
	_ =	swait.ge [sflag:s23], $0x40  }
0xd8: {  	s24 =	sshll.u32 s22, $0x7;
	s29 =	sor.u32 $0x10, s22;
	[sflag:s23] =	ssyncset.done $0x0  }
0xd9: {  	p1 =	por p0, !p1;
	s24 =	sor.u32 $0xB800, s24;
	[sflag:s23] =	ssyncadd.s32 $0xFFFFFFC0  }
0xda: {  	[spmem:s3] =	stream.indirect.scatter.add.f32 [tilespmem:s24], [sflag:s29], $0x1, s21, s12, $0xb8;
	[tilespmem:$0x1FE00] =	vst v63  }
.Ltmp9:
0xdb: {  	s21 =	sxor.u32 @!p0 $0x1, s22;
	(pc) =	sbr.rel @!p1 .LBB2_12-.Ltmp9, $4  }
0xdc: {  	s21 =	sor.u32 @!p0 $0x10, s21  }
0xdd: {  	_ =	swait.ge @!p0 [sflag:s21], $0x40  }
0xde: {  	[sflag:s21] =	ssyncset.done @!p0 $0x0  }
0xdf: {  	[sflag:s21] =	ssyncadd.s32 @!p0 $0xFFFFFFC0  }
0xe0: {  	s19 =	sadd.s32 $0x1, s19  }
0xe1: {  	s21 =	sshrl.u32 s19, $0x3  }
0xe2: {  	s22 =	smul.u32 $0xAB, s21;
	_ =	sdelay $0x1  }
0xe3: {  	s22 =	sshrl.u32 s22, $0x9  }
0xe4: {  	s22 =	sand.u32 $0x7F, s22  }
0xe5: {  	s22 =	smul.u32 $0x3, s22;
	_ =	sdelay $0x1  }
0xe6: {  	s21 =	ssub.s32 s21, s22  }
.Ltmp10:
0xe7: {  	s21 =	sand.u32 $0xFF, s21;
	(pc) =	sbr.rel .LBB2_4-.Ltmp10, $4  }
0xe8: {  	s23 =	sand.u32 $0x380, s20;
	s28 =	sand.u32 $0x1, s19;
	s21 =	sshll.u32 s21, $0xA  }
0xe9: {  	s20 =	sadd.s32 $0x80, s20;
	s24 =	sshll.u32 s28, $0x7;
	s21 =	sor.u32 s23, s21  }
0xea: {  	s29 =	sor.u32 $0xB800, s24;
	s22 =	sor.u32 $0xE, s28;
	s21 =	sadd.s32 $0xC00, s21  }
0xeb: {  	[tilespmem:s29], [sflag:s22] =	stream.indirect.gather [spmem:s4], $0x1, s21, s12, $0xb8;
	[tilespmem:$0x1FE00] =	vst v63  }
.LBB2_13:
0xec: {  	_ =	sfence.sel $0x180000  }
0xed: {  	[bflag:$0x0] =	sbarrier.arrive $0xFFFF  }
0xee: {  	_ =	strace $0x9000004A  }
0xef: {  	s0 =	stileid.u32;
	[bflag:$0x2] =	sbarrier.arrive $0xFFFF  }
0xf0: {  	p0 =	sne.s32 s0, $0x0;
	s0 =	rddreg [dreg:$0x4]  }
0xf1: {  	s0 =	sadd.s32 @!p0 $0x100000, s0  }
0xf2: {  	[sflag:s0] =	ssyncadd.tile.s32 @!p0 $0x1;
	_ =	shalt  }
.Lfunc_end2:
_tile_overlayer_lowered:
.L_overlay_start_2:
0xf3: {  	(tag) =	ssettag $0x2  }
0xf4: {  	s0 =	rddreg [dreg:$0x0];
	s2 =	stileid.u32  }
0xf5: {  	s1 =	rddreg [dreg:$0x1];
	p0 =	sne.s32 s2, $0x0  }
0xf6: {  	s3 =	rddreg [dreg:$0x2];
	[bflag:$0x3] =	sbarrier.arrive $0xFFFF;
	s2 =	simm.s32 @!p0 $0x1C12  }
0xf7: {  	[timem:s3], [sflag:s2] =	dma.local @!p0 [hbm:s0], s1  }
0xf8: {  	s0 =	simm.s32 @!p0 $0x12  }
0xf9: {  	_ =	swait.ge @!p0 [sflag:s0], s1  }
0xfa: {  	s1 =	ssub.s32 @!p0 $0x0, s1;
	[sflag:s0] =	ssyncset.done @!p0 $0x0  }
0xfb: {  	[sflag:s0] =	ssyncadd.s32 @!p0 s1  }
0xfc: {  	[bflag:$0x3] =	sbarrier.arrive $0xFFFF  }
0xfd: {  	_ =	shalt  }

</sc_bundles>
